<compile_context>
chip_gen: v7x
topology: tpu7x:2x2x1
jax: 0.10.2.dev20260603
libtpu: 0.0.44.dev20260713+nightly
codegen_flags: <defaults>
</compile_context>

<pallas_src>
import functools
import math

import jax
import jax.numpy as jnp
import numpy as np
from jax import lax
from jax.experimental import pallas as pl
from jax.experimental.pallas import tpu as pltpu
from jax.experimental.pallas import tpu_sc as plsc

_DIM = 1024
_HALF = _DIM // 2
_BASE = 10000.0
_DIST_SCALE = 16.0
_INV_SQRT_DIM = 1.0 / math.sqrt(_DIM)


def _fit_turn_polys():
    v = np.linspace(-0.5, 0.5, 40001)
    w = v * v
    cosy = np.cos(2 * np.pi * v)
    siny = np.where(v == 0, 2 * np.pi, np.sin(2 * np.pi * v) / np.where(v == 0, 1, v))
    pc = np.polynomial.Polynomial.fit(w, cosy, 3).convert().coef
    ps = np.polynomial.Polynomial.fit(w, siny, 3).convert().coef
    return (tuple(float(c) * _INV_SQRT_DIM for c in pc),
            tuple(float(c) * _INV_SQRT_DIM for c in ps))


_COS_COEF, _SIN_COEF = _fit_turn_polys()


def _freq_reduction_consts():
    inv_freq32 = (
        1.0 / (_BASE ** (np.arange(0, _DIM, 2).astype(np.float32) / np.float32(_DIM)))
    ).astype(np.float32)
    f = np.mod(_DIST_SCALE * inv_freq32.astype(np.float64) / (2 * np.pi), 1.0)
    return f.astype(np.float32).reshape(1, _HALF)


_F_TURNS = _freq_reduction_consts()


def _sc_gather(weight, idx_flat, n_tokens):
    info = plsc.get_sparse_core_info()
    nw = info.num_cores * info.num_subcores
    b_per_w = n_tokens // nw
    chunk = 32
    nbuf = 3
    n_chunks = b_per_w // chunk
    mesh = plsc.VectorSubcoreMesh(core_axis_name="c", subcore_axis_name="s")

    @functools.partial(
        pl.kernel,
        mesh=mesh,
        out_type=jax.ShapeDtypeStruct((n_tokens, _DIM), jnp.float32),
        scratch_types=[
            pltpu.VMEM((b_per_w,), jnp.int32),
            *[pltpu.VMEM((chunk, _DIM), jnp.float32) for _ in range(nbuf)],
            *[pltpu.SemaphoreType.DMA for _ in range(2 * nbuf)],
        ],
    )
    def gather_kernel(table_hbm, idx_hbm, out_hbm, idx_v, *bufs_and_sems):
        wid = lax.axis_index("s") * info.num_cores + lax.axis_index("c")
        base = wid * b_per_w
        pltpu.sync_copy(idx_hbm.at[pl.ds(base, b_per_w)], idx_v)

        bufs = bufs_and_sems[:nbuf]
        gsems = bufs_and_sems[nbuf:2 * nbuf]
        ssems = bufs_and_sems[2 * nbuf:]

        def gather_start(j):
            pltpu.async_copy(
                table_hbm.at[idx_v.at[pl.ds(j * chunk, chunk)]],
                bufs[j % nbuf], gsems[j % nbuf],
            )

        def gather_wait(j):
            pltpu.make_async_copy(
                table_hbm.at[idx_v.at[pl.ds(j * chunk, chunk)]],
                bufs[j % nbuf], gsems[j % nbuf],
            ).wait()

        def scatter_start(j):
            pltpu.async_copy(
                bufs[j % nbuf], out_hbm.at[pl.ds(base + j * chunk, chunk)],
                ssems[j % nbuf],
            )

        def scatter_wait(j):
            pltpu.make_async_copy(
                bufs[j % nbuf], out_hbm.at[pl.ds(base + j * chunk, chunk)],
                ssems[j % nbuf],
            ).wait()

        for j in range(nbuf - 1):
            gather_start(j)
        for j in range(n_chunks):
            gather_wait(j)
            if j + nbuf - 1 < n_chunks:
                if j >= 1:
                    scatter_wait(j - 1)
                gather_start(j + nbuf - 1)
            scatter_start(j)
        for j in range(n_chunks - nbuf, n_chunks):
            scatter_wait(j)

    return gather_kernel(weight, idx_flat)


def _horner(w, coef):
    acc = jnp.full_like(w, coef[-1])
    for c in coef[-2::-1]:
        acc = acc * w + c
    return acc


def _rotary_body(f_ref, n_ref, x_ref, o_ref):
    n = n_ref[...]
    f = f_ref[...]
    z = n * f
    v = z - jnp.round(z)
    w = v * v
    c = _horner(w, _COS_COEF)
    s = v * _horner(w, _SIN_COEF)
    x1 = x_ref[:, :_HALF]
    x2 = x_ref[:, _HALF:]
    o_ref[:, :_HALF] = x1 * c - x2 * s
    o_ref[:, _HALF:] = x2 * c + x1 * s


def _rotary_tc(embeds, nsub):
    n_tokens = embeds.shape[0]
    t = 512
    grid = (n_tokens // t,)
    return pl.pallas_call(
        _rotary_body,
        grid=grid,
        in_specs=[
            pl.BlockSpec((1, _HALF), lambda i: (0, 0)),
            pl.BlockSpec((t, 1), lambda i: (i, 0)),
            pl.BlockSpec((t, _DIM), lambda i: (i, 0)),
        ],
        out_specs=pl.BlockSpec((t, _DIM), lambda i: (i, 0)),
        out_shape=jax.ShapeDtypeStruct((n_tokens, _DIM), jnp.float32),
    )(jnp.asarray(_F_TURNS), nsub, embeds)


def kernel(ids, ids_sub, weight):
    b, s = ids.shape
    n = b * s
    idx = ids.reshape(n)
    nsub = ids_sub.astype(jnp.float32).reshape(n, 1)
    embeds = _sc_gather(weight, idx, n)
    out = _rotary_tc(embeds, nsub)
    return out.reshape(b, s, _DIM)

# --- scband reference (transcript-rebuilt; emitter-appended) ---
"""Pipeline reference for scband-embedding-ext-40948218200466 (READ-ONLY COPY).

The authoritative reference and input builder live on the scoring server;
editing this copy changes nothing except your own understanding.
"""

import jax, jax.numpy as jnp
import numpy as np
import math

VOCAB = 100000
DIM = 1024
BATCH = 4
SEQ = 4096
DIST_SCALE = 16


def setup_inputs(seed: int = 0) -> dict:
    key = jax.random.key(seed)
    k1, k2, k3 = jax.random.split(key, 3)
    ids = jax.random.randint(k1, (BATCH, SEQ), 0, VOCAB, dtype=jnp.int32)
    ids_sub = jax.random.randint(k2, (BATCH, SEQ), 0, SEQ, dtype=jnp.int32)
    weight = jax.random.normal(k3, (VOCAB, DIM), dtype=jnp.float32)
    return {"ids": ids, "ids_sub": ids_sub, "weight": weight}


def _rotary(x, x_pos, distance_scale=DIST_SCALE, base=10000.0):
    # CPM-Ant/CPM-Bee style rotary: applied over the full embedding dim,
    # positions scaled by distance_scale.
    dim = x.shape[-1]
    inv_freq = 1.0 / (base ** (jnp.arange(0, dim, 2, dtype=jnp.float32) / dim))
    pos = x_pos.astype(jnp.float32) * distance_scale          # (B, S)
    freqs = pos[..., None] * inv_freq[None, None, :]          # (B, S, dim/2)
    emb = jnp.concatenate([freqs, freqs], axis=-1)            # (B, S, dim)
    emb_cos = jnp.cos(emb)
    emb_sin = jnp.sin(emb)
    half = dim // 2
    rotate_x = jnp.concatenate([-x[..., half:], x[..., :half]], axis=-1)
    return x * emb_cos + rotate_x * emb_sin


def reference(ids, ids_sub, weight):
    # embedding gather (SparseCore-mappable) + scale + rotary
    embeds = jnp.take(weight, ids, axis=0) / math.sqrt(DIM)   # (B, S, DIM)
    return _rotary(embeds, ids_sub)

if __name__ == "__main__":
    import jax
    _d = setup_inputs()
    print(jax.jit(kernel)(*tuple(_d.values())))

</pallas_src>

<mosaic_0001>
#map = affine_map<(d0, d1) -> (0, 0)>
#map1 = affine_map<(d0, d1) -> (0)>
module attributes {stable_mosaic.version = 14 : i64} {
  func.func @gather_kernel(%arg0: i32, %arg1: i32, %arg2: memref<100000x1024xf32, #tpu.memory_space<hbm>>, %arg3: memref<16384xi32, #tpu.memory_space<hbm>>, %arg4: memref<16384x1024xf32, #tpu.memory_space<hbm>>, %arg5: memref<512xi32, #tpu.memory_space<vmem>>, %arg6: memref<32x1024xf32, #tpu.memory_space<vmem>>, %arg7: memref<32x1024xf32, #tpu.memory_space<vmem>>, %arg8: memref<32x1024xf32, #tpu.memory_space<vmem>>, %arg9: memref<!tpu.dma_semaphore, #tpu.memory_space<semaphore_mem>>, %arg10: memref<!tpu.dma_semaphore, #tpu.memory_space<semaphore_mem>>, %arg11: memref<!tpu.dma_semaphore, #tpu.memory_space<semaphore_mem>>, %arg12: memref<!tpu.dma_semaphore, #tpu.memory_space<semaphore_mem>>, %arg13: memref<!tpu.dma_semaphore, #tpu.memory_space<semaphore_mem>>, %arg14: memref<!tpu.dma_semaphore, #tpu.memory_space<semaphore_mem>>) attributes {dimension_semantics = [#tpu.dimension_semantics<core_parallel>, #tpu.dimension_semantics<subcore_parallel>], iteration_bounds = array<i64: 2, 16>, scalar_prefetch = 0 : i64, scratch_operands = 10 : i64, tpu.core_type = #tpu.core_type<sc_vector_subcore>, window_params = [{transform_indices = #map}, {transform_indices = #map1}, {transform_indices = #map}]} {
    %mul3A = arith.constant 2 : i32
    %mul3A_0 = arith.muli %arg1, %mul3A : i32
    %add3A = arith.addi %mul3A_0, %arg0 : i32
    %mul3A_1 = arith.constant 512 : i32
    %mul3A_2 = arith.muli %add3A, %mul3A_1 : i32
    "tpu.region"() ({
      %run_scoped3A = tpu.sem_alloc : memref<!tpu.dma_semaphore, #tpu.memory_space<semaphore_mem>>
      %dma_start3A_353 = tpu.memref_slice %arg3[%mul3A_2] : memref<16384xi32, #tpu.memory_space<hbm>> -> memref<512xi32, #tpu.memory_space<hbm>>
      %dma_start3A_354 = tpu.memref_slice %arg3[%mul3A_2] : memref<16384xi32, #tpu.memory_space<hbm>> -> memref<512xi32, #tpu.memory_space<hbm>>
      tpu.enqueue_dma source(%dma_start3A_354 : memref<512xi32, #tpu.memory_space<hbm>>) target(%arg5 : memref<512xi32, #tpu.memory_space<vmem>>) target_semaphore(%run_scoped3A : memref<!tpu.dma_semaphore, #tpu.memory_space<semaphore_mem>>)
      %dma_wait3A_355 = tpu.memref_slice %arg3[%mul3A_2] : memref<16384xi32, #tpu.memory_space<hbm>> -> memref<512xi32, #tpu.memory_space<hbm>>
      %dma_wait3A_356 = tpu.memref_slice %arg3[%mul3A_2] : memref<16384xi32, #tpu.memory_space<hbm>> -> memref<512xi32, #tpu.memory_space<hbm>>
      tpu.wait_dma2 semaphore(%run_scoped3A : memref<!tpu.dma_semaphore, #tpu.memory_space<semaphore_mem>>) src(%dma_wait3A_356 : memref<512xi32, #tpu.memory_space<hbm>>) dst(%arg5 : memref<512xi32, #tpu.memory_space<vmem>>)
      tpu.yield
    }) : () -> ()
    %dma_start3A = arith.constant 0 : i32
    %dma_start3A_3 = tpu.memref_slice %arg5[%dma_start3A] : memref<512xi32, #tpu.memory_space<vmem>> -> memref<32xi32, #tpu.memory_space<vmem>>
    %dma_start3A_4 = arith.constant 0 : i32
    %dma_start3A_5 = arith.constant 0 : i32
    %dma_start3A_6 = tpu.memref_slice %arg2[%dma_start3A_4, %dma_start3A_5] : memref<100000x1024xf32, #tpu.memory_space<hbm>> -> memref<100000x1024xf32, #tpu.memory_space<hbm>>
    tpu.enqueue_indirect_dma source(%dma_start3A_6 : memref<100000x1024xf32, #tpu.memory_space<hbm>>) target(%arg6 : memref<32x1024xf32, #tpu.memory_space<vmem>>) offsets(%dma_start3A_3 : memref<32xi32, #tpu.memory_space<vmem>>) semaphore(%arg9 : memref<!tpu.dma_semaphore, #tpu.memory_space<semaphore_mem>>)
    %dma_start3A_7 = arith.constant 32 : i32
    %dma_start3A_8 = tpu.memref_slice %arg5[%dma_start3A_7] : memref<512xi32, #tpu.memory_space<vmem>> -> memref<32xi32, #tpu.memory_space<vmem>>
    %dma_start3A_9 = arith.constant 0 : i32
    %dma_start3A_10 = arith.constant 0 : i32
    %dma_start3A_11 = tpu.memref_slice %arg2[%dma_start3A_9, %dma_start3A_10] : memref<100000x1024xf32, #tpu.memory_space<hbm>> -> memref<100000x1024xf32, #tpu.memory_space<hbm>>
    tpu.enqueue_indirect_dma source(%dma_start3A_11 : memref<100000x1024xf32, #tpu.memory_space<hbm>>) target(%arg7 : memref<32x1024xf32, #tpu.memory_space<vmem>>) offsets(%dma_start3A_8 : memref<32xi32, #tpu.memory_space<vmem>>) semaphore(%arg10 : memref<!tpu.dma_semaphore, #tpu.memory_space<semaphore_mem>>)
    %dma_wait3A = arith.constant 0 : i32
    %dma_wait3A_12 = tpu.memref_slice %arg5[%dma_wait3A] : memref<512xi32, #tpu.memory_space<vmem>> -> memref<32xi32, #tpu.memory_space<vmem>>
    %dma_wait3A_13 = arith.constant 0 : i32
    %dma_wait3A_14 = arith.constant 0 : i32
    %dma_wait3A_15 = tpu.memref_slice %arg2[%dma_wait3A_13, %dma_wait3A_14] : memref<100000x1024xf32, #tpu.memory_space<hbm>> -> memref<100000x1024xf32, #tpu.memory_space<hbm>>
    tpu.wait_indirect_dma semaphore(%arg9 : memref<!tpu.dma_semaphore, #tpu.memory_space<semaphore_mem>>) src(%dma_wait3A_15 : memref<100000x1024xf32, #tpu.memory_space<hbm>>) dst(%arg6 : memref<32x1024xf32, #tpu.memory_space<vmem>>)
    %dma_start3A_16 = arith.constant 64 : i32
    %dma_start3A_17 = tpu.memref_slice %arg5[%dma_start3A_16] : memref<512xi32, #tpu.memory_space<vmem>> -> memref<32xi32, #tpu.memory_space<vmem>>
    %dma_start3A_18 = arith.constant 0 : i32
    %dma_start3A_19 = arith.constant 0 : i32
    %dma_start3A_20 = tpu.memref_slice %arg2[%dma_start3A_18, %dma_start3A_19] : memref<100000x1024xf32, #tpu.memory_space<hbm>> -> memref<100000x1024xf32, #tpu.memory_space<hbm>>
    tpu.enqueue_indirect_dma source(%dma_start3A_20 : memref<100000x1024xf32, #tpu.memory_space<hbm>>) target(%arg8 : memref<32x1024xf32, #tpu.memory_space<vmem>>) offsets(%dma_start3A_17 : memref<32xi32, #tpu.memory_space<vmem>>) semaphore(%arg11 : memref<!tpu.dma_semaphore, #tpu.memory_space<semaphore_mem>>)
    %add3A_21 = arith.constant 0 : i32
    %add3A_22 = arith.addi %mul3A_2, %add3A_21 : i32
    %dma_start3A_23 = arith.constant 0 : i32
    %dma_start3A_24 = tpu.memref_slice %arg4[%add3A_22, %dma_start3A_23] : memref<16384x1024xf32, #tpu.memory_space<hbm>> -> memref<32x1024xf32, #tpu.memory_space<hbm>>
    %dma_start3A_25 = arith.constant 0 : i32
    %dma_start3A_26 = tpu.memref_slice %arg4[%add3A_22, %dma_start3A_25] : memref<16384x1024xf32, #tpu.memory_space<hbm>> -> memref<32x1024xf32, #tpu.memory_space<hbm>>
    tpu.enqueue_dma source(%arg6 : memref<32x1024xf32, #tpu.memory_space<vmem>>) target(%dma_start3A_26 : memref<32x1024xf32, #tpu.memory_space<hbm>>) target_semaphore(%arg12 : memref<!tpu.dma_semaphore, #tpu.memory_space<semaphore_mem>>)
    %dma_wait3A_27 = arith.constant 32 : i32
    %dma_wait3A_28 = tpu.memref_slice %arg5[%dma_wait3A_27] : memref<512xi32, #tpu.memory_space<vmem>> -> memref<32xi32, #tpu.memory_space<vmem>>
    %dma_wait3A_29 = arith.constant 0 : i32
    %dma_wait3A_30 = arith.constant 0 : i32
    %dma_wait3A_31 = tpu.memref_slice %arg2[%dma_wait3A_29, %dma_wait3A_30] : memref<100000x1024xf32, #tpu.memory_space<hbm>> -> memref<100000x1024xf32, #tpu.memory_space<hbm>>
    tpu.wait_indirect_dma semaphore(%arg10 : memref<!tpu.dma_semaphore, #tpu.memory_space<semaphore_mem>>) src(%dma_wait3A_31 : memref<100000x1024xf32, #tpu.memory_space<hbm>>) dst(%arg7 : memref<32x1024xf32, #tpu.memory_space<vmem>>)
    %add3A_32 = arith.constant 0 : i32
    %add3A_33 = arith.addi %mul3A_2, %add3A_32 : i32
    %dma_wait3A_34 = arith.constant 0 : i32
    %dma_wait3A_35 = tpu.memref_slice %arg4[%add3A_33, %dma_wait3A_34] : memref<16384x1024xf32, #tpu.memory_space<hbm>> -> memref<32x1024xf32, #tpu.memory_space<hbm>>
    %dma_wait3A_36 = arith.constant 0 : i32
    %dma_wait3A_37 = tpu.memref_slice %arg4[%add3A_33, %dma_wait3A_36] : memref<16384x1024xf32, #tpu.memory_space<hbm>> -> memref<32x1024xf32, #tpu.memory_space<hbm>>
    tpu.wait_dma2 semaphore(%arg12 : memref<!tpu.dma_semaphore, #tpu.memory_space<semaphore_mem>>) src(%arg6 : memref<32x1024xf32, #tpu.memory_space<vmem>>) dst(%dma_wait3A_37 : memref<32x1024xf32, #tpu.memory_space<hbm>>)
    %dma_start3A_38 = arith.constant 96 : i32
    %dma_start3A_39 = tpu.memref_slice %arg5[%dma_start3A_38] : memref<512xi32, #tpu.memory_space<vmem>> -> memref<32xi32, #tpu.memory_space<vmem>>
    %dma_start3A_40 = arith.constant 0 : i32
    %dma_start3A_41 = arith.constant 0 : i32
    %dma_start3A_42 = tpu.memref_slice %arg2[%dma_start3A_40, %dma_start3A_41] : memref<100000x1024xf32, #tpu.memory_space<hbm>> -> memref<100000x1024xf32, #tpu.memory_space<hbm>>
    tpu.enqueue_indirect_dma source(%dma_start3A_42 : memref<100000x1024xf32, #tpu.memory_space<hbm>>) target(%arg6 : memref<32x1024xf32, #tpu.memory_space<vmem>>) offsets(%dma_start3A_39 : memref<32xi32, #tpu.memory_space<vmem>>) semaphore(%arg9 : memref<!tpu.dma_semaphore, #tpu.memory_space<semaphore_mem>>)
    %add3A_43 = arith.constant 32 : i32
    %add3A_44 = arith.addi %mul3A_2, %add3A_43 : i32
    %dma_start3A_45 = arith.constant 0 : i32
    %dma_start3A_46 = tpu.memref_slice %arg4[%add3A_44, %dma_start3A_45] : memref<16384x1024xf32, #tpu.memory_space<hbm>> -> memref<32x1024xf32, #tpu.memory_space<hbm>>
    %dma_start3A_47 = arith.constant 0 : i32
    %dma_start3A_48 = tpu.memref_slice %arg4[%add3A_44, %dma_start3A_47] : memref<16384x1024xf32, #tpu.memory_space<hbm>> -> memref<32x1024xf32, #tpu.memory_space<hbm>>
    tpu.enqueue_dma source(%arg7 : memref<32x1024xf32, #tpu.memory_space<vmem>>) target(%dma_start3A_48 : memref<32x1024xf32, #tpu.memory_space<hbm>>) target_semaphore(%arg13 : memref<!tpu.dma_semaphore, #tpu.memory_space<semaphore_mem>>)
    %dma_wait3A_49 = arith.constant 64 : i32
    %dma_wait3A_50 = tpu.memref_slice %arg5[%dma_wait3A_49] : memref<512xi32, #tpu.memory_space<vmem>> -> memref<32xi32, #tpu.memory_space<vmem>>
    %dma_wait3A_51 = arith.constant 0 : i32
    %dma_wait3A_52 = arith.constant 0 : i32
    %dma_wait3A_53 = tpu.memref_slice %arg2[%dma_wait3A_51, %dma_wait3A_52] : memref<100000x1024xf32, #tpu.memory_space<hbm>> -> memref<100000x1024xf32, #tpu.memory_space<hbm>>
    tpu.wait_indirect_dma semaphore(%arg11 : memref<!tpu.dma_semaphore, #tpu.memory_space<semaphore_mem>>) src(%dma_wait3A_53 : memref<100000x1024xf32, #tpu.memory_space<hbm>>) dst(%arg8 : memref<32x1024xf32, #tpu.memory_space<vmem>>)
    %add3A_54 = arith.constant 32 : i32
    %add3A_55 = arith.addi %mul3A_2, %add3A_54 : i32
    %dma_wait3A_56 = arith.constant 0 : i32
    %dma_wait3A_57 = tpu.memref_slice %arg4[%add3A_55, %dma_wait3A_56] : memref<16384x1024xf32, #tpu.memory_space<hbm>> -> memref<32x1024xf32, #tpu.memory_space<hbm>>
    %dma_wait3A_58 = arith.constant 0 : i32
    %dma_wait3A_59 = tpu.memref_slice %arg4[%add3A_55, %dma_wait3A_58] : memref<16384x1024xf32, #tpu.memory_space<hbm>> -> memref<32x1024xf32, #tpu.memory_space<hbm>>
    tpu.wait_dma2 semaphore(%arg13 : memref<!tpu.dma_semaphore, #tpu.memory_space<semaphore_mem>>) src(%arg7 : memref<32x1024xf32, #tpu.memory_space<vmem>>) dst(%dma_wait3A_59 : memref<32x1024xf32, #tpu.memory_space<hbm>>)
    %dma_start3A_60 = arith.constant 128 : i32
    %dma_start3A_61 = tpu.memref_slice %arg5[%dma_start3A_60] : memref<512xi32, #tpu.memory_space<vmem>> -> memref<32xi32, #tpu.memory_space<vmem>>
    %dma_start3A_62 = arith.constant 0 : i32
    %dma_start3A_63 = arith.constant 0 : i32
    %dma_start3A_64 = tpu.memref_slice %arg2[%dma_start3A_62, %dma_start3A_63] : memref<100000x1024xf32, #tpu.memory_space<hbm>> -> memref<100000x1024xf32, #tpu.memory_space<hbm>>
    tpu.enqueue_indirect_dma source(%dma_start3A_64 : memref<100000x1024xf32, #tpu.memory_space<hbm>>) target(%arg7 : memref<32x1024xf32, #tpu.memory_space<vmem>>) offsets(%dma_start3A_61 : memref<32xi32, #tpu.memory_space<vmem>>) semaphore(%arg10 : memref<!tpu.dma_semaphore, #tpu.memory_space<semaphore_mem>>)
    %add3A_65 = arith.constant 64 : i32
    %add3A_66 = arith.addi %mul3A_2, %add3A_65 : i32
    %dma_start3A_67 = arith.constant 0 : i32
    %dma_start3A_68 = tpu.memref_slice %arg4[%add3A_66, %dma_start3A_67] : memref<16384x1024xf32, #tpu.memory_space<hbm>> -> memref<32x1024xf32, #tpu.memory_space<hbm>>
    %dma_start3A_69 = arith.constant 0 : i32
    %dma_start3A_70 = tpu.memref_slice %arg4[%add3A_66, %dma_start3A_69] : memref<16384x1024xf32, #tpu.memory_space<hbm>> -> memref<32x1024xf32, #tpu.memory_space<hbm>>
    tpu.enqueue_dma source(%arg8 : memref<32x1024xf32, #tpu.memory_space<vmem>>) target(%dma_start3A_70 : memref<32x1024xf32, #tpu.memory_space<hbm>>) target_semaphore(%arg14 : memref<!tpu.dma_semaphore, #tpu.memory_space<semaphore_mem>>)
    %dma_wait3A_71 = arith.constant 96 : i32
    %dma_wait3A_72 = tpu.memref_slice %arg5[%dma_wait3A_71] : memref<512xi32, #tpu.memory_space<vmem>> -> memref<32xi32, #tpu.memory_space<vmem>>
    %dma_wait3A_73 = arith.constant 0 : i32
    %dma_wait3A_74 = arith.constant 0 : i32
    %dma_wait3A_75 = tpu.memref_slice %arg2[%dma_wait3A_73, %dma_wait3A_74] : memref<100000x1024xf32, #tpu.memory_space<hbm>> -> memref<100000x1024xf32, #tpu.memory_space<hbm>>
    tpu.wait_indirect_dma semaphore(%arg9 : memref<!tpu.dma_semaphore, #tpu.memory_space<semaphore_mem>>) src(%dma_wait3A_75 : memref<100000x1024xf32, #tpu.memory_space<hbm>>) dst(%arg6 : memref<32x1024xf32, #tpu.memory_space<vmem>>)
    %add3A_76 = arith.constant 64 : i32
    %add3A_77 = arith.addi %mul3A_2, %add3A_76 : i32
    %dma_wait3A_78 = arith.constant 0 : i32
    %dma_wait3A_79 = tpu.memref_slice %arg4[%add3A_77, %dma_wait3A_78] : memref<16384x1024xf32, #tpu.memory_space<hbm>> -> memref<32x1024xf32, #tpu.memory_space<hbm>>
    %dma_wait3A_80 = arith.constant 0 : i32
    %dma_wait3A_81 = tpu.memref_slice %arg4[%add3A_77, %dma_wait3A_80] : memref<16384x1024xf32, #tpu.memory_space<hbm>> -> memref<32x1024xf32, #tpu.memory_space<hbm>>
    tpu.wait_dma2 semaphore(%arg14 : memref<!tpu.dma_semaphore, #tpu.memory_space<semaphore_mem>>) src(%arg8 : memref<32x1024xf32, #tpu.memory_space<vmem>>) dst(%dma_wait3A_81 : memref<32x1024xf32, #tpu.memory_space<hbm>>)
    %dma_start3A_82 = arith.constant 160 : i32
    %dma_start3A_83 = tpu.memref_slice %arg5[%dma_start3A_82] : memref<512xi32, #tpu.memory_space<vmem>> -> memref<32xi32, #tpu.memory_space<vmem>>
    %dma_start3A_84 = arith.constant 0 : i32
    %dma_start3A_85 = arith.constant 0 : i32
    %dma_start3A_86 = tpu.memref_slice %arg2[%dma_start3A_84, %dma_start3A_85] : memref<100000x1024xf32, #tpu.memory_space<hbm>> -> memref<100000x1024xf32, #tpu.memory_space<hbm>>
    tpu.enqueue_indirect_dma source(%dma_start3A_86 : memref<100000x1024xf32, #tpu.memory_space<hbm>>) target(%arg8 : memref<32x1024xf32, #tpu.memory_space<vmem>>) offsets(%dma_start3A_83 : memref<32xi32, #tpu.memory_space<vmem>>) semaphore(%arg11 : memref<!tpu.dma_semaphore, #tpu.memory_space<semaphore_mem>>)
    %add3A_87 = arith.constant 96 : i32
    %add3A_88 = arith.addi %mul3A_2, %add3A_87 : i32
    %dma_start3A_89 = arith.constant 0 : i32
    %dma_start3A_90 = tpu.memref_slice %arg4[%add3A_88, %dma_start3A_89] : memref<16384x1024xf32, #tpu.memory_space<hbm>> -> memref<32x1024xf32, #tpu.memory_space<hbm>>
    %dma_start3A_91 = arith.constant 0 : i32
    %dma_start3A_92 = tpu.memref_slice %arg4[%add3A_88, %dma_start3A_91] : memref<16384x1024xf32, #tpu.memory_space<hbm>> -> memref<32x1024xf32, #tpu.memory_space<hbm>>
    tpu.enqueue_dma source(%arg6 : memref<32x1024xf32, #tpu.memory_space<vmem>>) target(%dma_start3A_92 : memref<32x1024xf32, #tpu.memory_space<hbm>>) target_semaphore(%arg12 : memref<!tpu.dma_semaphore, #tpu.memory_space<semaphore_mem>>)
    %dma_wait3A_93 = arith.constant 128 : i32
    %dma_wait3A_94 = tpu.memref_slice %arg5[%dma_wait3A_93] : memref<512xi32, #tpu.memory_space<vmem>> -> memref<32xi32, #tpu.memory_space<vmem>>
    %dma_wait3A_95 = arith.constant 0 : i32
    %dma_wait3A_96 = arith.constant 0 : i32
    %dma_wait3A_97 = tpu.memref_slice %arg2[%dma_wait3A_95, %dma_wait3A_96] : memref<100000x1024xf32, #tpu.memory_space<hbm>> -> memref<100000x1024xf32, #tpu.memory_space<hbm>>
    tpu.wait_indirect_dma semaphore(%arg10 : memref<!tpu.dma_semaphore, #tpu.memory_space<semaphore_mem>>) src(%dma_wait3A_97 : memref<100000x1024xf32, #tpu.memory_space<hbm>>) dst(%arg7 : memref<32x1024xf32, #tpu.memory_space<vmem>>)
    %add3A_98 = arith.constant 96 : i32
    %add3A_99 = arith.addi %mul3A_2, %add3A_98 : i32
    %dma_wait3A_100 = arith.constant 0 : i32
    %dma_wait3A_101 = tpu.memref_slice %arg4[%add3A_99, %dma_wait3A_100] : memref<16384x1024xf32, #tpu.memory_space<hbm>> -> memref<32x1024xf32, #tpu.memory_space<hbm>>
    %dma_wait3A_102 = arith.constant 0 : i32
    %dma_wait3A_103 = tpu.memref_slice %arg4[%add3A_99, %dma_wait3A_102] : memref<16384x1024xf32, #tpu.memory_space<hbm>> -> memref<32x1024xf32, #tpu.memory_space<hbm>>
    tpu.wait_dma2 semaphore(%arg12 : memref<!tpu.dma_semaphore, #tpu.memory_space<semaphore_mem>>) src(%arg6 : memref<32x1024xf32, #tpu.memory_space<vmem>>) dst(%dma_wait3A_103 : memref<32x1024xf32, #tpu.memory_space<hbm>>)
    %dma_start3A_104 = arith.constant 192 : i32
    %dma_start3A_105 = tpu.memref_slice %arg5[%dma_start3A_104] : memref<512xi32, #tpu.memory_space<vmem>> -> memref<32xi32, #tpu.memory_space<vmem>>
    %dma_start3A_106 = arith.constant 0 : i32
    %dma_start3A_107 = arith.constant 0 : i32
    %dma_start3A_108 = tpu.memref_slice %arg2[%dma_start3A_106, %dma_start3A_107] : memref<100000x1024xf32, #tpu.memory_space<hbm>> -> memref<100000x1024xf32, #tpu.memory_space<hbm>>
    tpu.enqueue_indirect_dma source(%dma_start3A_108 : memref<100000x1024xf32, #tpu.memory_space<hbm>>) target(%arg6 : memref<32x1024xf32, #tpu.memory_space<vmem>>) offsets(%dma_start3A_105 : memref<32xi32, #tpu.memory_space<vmem>>) semaphore(%arg9 : memref<!tpu.dma_semaphore, #tpu.memory_space<semaphore_mem>>)
    %add3A_109 = arith.constant 128 : i32
    %add3A_110 = arith.addi %mul3A_2, %add3A_109 : i32
    %dma_start3A_111 = arith.constant 0 : i32
    %dma_start3A_112 = tpu.memref_slice %arg4[%add3A_110, %dma_start3A_111] : memref<16384x1024xf32, #tpu.memory_space<hbm>> -> memref<32x1024xf32, #tpu.memory_space<hbm>>
    %dma_start3A_113 = arith.constant 0 : i32
    %dma_start3A_114 = tpu.memref_slice %arg4[%add3A_110, %dma_start3A_113] : memref<16384x1024xf32, #tpu.memory_space<hbm>> -> memref<32x1024xf32, #tpu.memory_space<hbm>>
    tpu.enqueue_dma source(%arg7 : memref<32x1024xf32, #tpu.memory_space<vmem>>) target(%dma_start3A_114 : memref<32x1024xf32, #tpu.memory_space<hbm>>) target_semaphore(%arg13 : memref<!tpu.dma_semaphore, #tpu.memory_space<semaphore_mem>>)
    %dma_wait3A_115 = arith.constant 160 : i32
    %dma_wait3A_116 = tpu.memref_slice %arg5[%dma_wait3A_115] : memref<512xi32, #tpu.memory_space<vmem>> -> memref<32xi32, #tpu.memory_space<vmem>>
    %dma_wait3A_117 = arith.constant 0 : i32
    %dma_wait3A_118 = arith.constant 0 : i32
    %dma_wait3A_119 = tpu.memref_slice %arg2[%dma_wait3A_117, %dma_wait3A_118] : memref<100000x1024xf32, #tpu.memory_space<hbm>> -> memref<100000x1024xf32, #tpu.memory_space<hbm>>
    tpu.wait_indirect_dma semaphore(%arg11 : memref<!tpu.dma_semaphore, #tpu.memory_space<semaphore_mem>>) src(%dma_wait3A_119 : memref<100000x1024xf32, #tpu.memory_space<hbm>>) dst(%arg8 : memref<32x1024xf32, #tpu.memory_space<vmem>>)
    %add3A_120 = arith.constant 128 : i32
    %add3A_121 = arith.addi %mul3A_2, %add3A_120 : i32
    %dma_wait3A_122 = arith.constant 0 : i32
    %dma_wait3A_123 = tpu.memref_slice %arg4[%add3A_121, %dma_wait3A_122] : memref<16384x1024xf32, #tpu.memory_space<hbm>> -> memref<32x1024xf32, #tpu.memory_space<hbm>>
    %dma_wait3A_124 = arith.constant 0 : i32
    %dma_wait3A_125 = tpu.memref_slice %arg4[%add3A_121, %dma_wait3A_124] : memref<16384x1024xf32, #tpu.memory_space<hbm>> -> memref<32x1024xf32, #tpu.memory_space<hbm>>
    tpu.wait_dma2 semaphore(%arg13 : memref<!tpu.dma_semaphore, #tpu.memory_space<semaphore_mem>>) src(%arg7 : memref<32x1024xf32, #tpu.memory_space<vmem>>) dst(%dma_wait3A_125 : memref<32x1024xf32, #tpu.memory_space<hbm>>)
    %dma_start3A_126 = arith.constant 224 : i32
    %dma_start3A_127 = tpu.memref_slice %arg5[%dma_start3A_126] : memref<512xi32, #tpu.memory_space<vmem>> -> memref<32xi32, #tpu.memory_space<vmem>>
    %dma_start3A_128 = arith.constant 0 : i32
    %dma_start3A_129 = arith.constant 0 : i32
    %dma_start3A_130 = tpu.memref_slice %arg2[%dma_start3A_128, %dma_start3A_129] : memref<100000x1024xf32, #tpu.memory_space<hbm>> -> memref<100000x1024xf32, #tpu.memory_space<hbm>>
    tpu.enqueue_indirect_dma source(%dma_start3A_130 : memref<100000x1024xf32, #tpu.memory_space<hbm>>) target(%arg7 : memref<32x1024xf32, #tpu.memory_space<vmem>>) offsets(%dma_start3A_127 : memref<32xi32, #tpu.memory_space<vmem>>) semaphore(%arg10 : memref<!tpu.dma_semaphore, #tpu.memory_space<semaphore_mem>>)
    %add3A_131 = arith.constant 160 : i32
    %add3A_132 = arith.addi %mul3A_2, %add3A_131 : i32
    %dma_start3A_133 = arith.constant 0 : i32
    %dma_start3A_134 = tpu.memref_slice %arg4[%add3A_132, %dma_start3A_133] : memref<16384x1024xf32, #tpu.memory_space<hbm>> -> memref<32x1024xf32, #tpu.memory_space<hbm>>
    %dma_start3A_135 = arith.constant 0 : i32
    %dma_start3A_136 = tpu.memref_slice %arg4[%add3A_132, %dma_start3A_135] : memref<16384x1024xf32, #tpu.memory_space<hbm>> -> memref<32x1024xf32, #tpu.memory_space<hbm>>
    tpu.enqueue_dma source(%arg8 : memref<32x1024xf32, #tpu.memory_space<vmem>>) target(%dma_start3A_136 : memref<32x1024xf32, #tpu.memory_space<hbm>>) target_semaphore(%arg14 : memref<!tpu.dma_semaphore, #tpu.memory_space<semaphore_mem>>)
    %dma_wait3A_137 = arith.constant 192 : i32
    %dma_wait3A_138 = tpu.memref_slice %arg5[%dma_wait3A_137] : memref<512xi32, #tpu.memory_space<vmem>> -> memref<32xi32, #tpu.memory_space<vmem>>
    %dma_wait3A_139 = arith.constant 0 : i32
    %dma_wait3A_140 = arith.constant 0 : i32
    %dma_wait3A_141 = tpu.memref_slice %arg2[%dma_wait3A_139, %dma_wait3A_140] : memref<100000x1024xf32, #tpu.memory_space<hbm>> -> memref<100000x1024xf32, #tpu.memory_space<hbm>>
    tpu.wait_indirect_dma semaphore(%arg9 : memref<!tpu.dma_semaphore, #tpu.memory_space<semaphore_mem>>) src(%dma_wait3A_141 : memref<100000x1024xf32, #tpu.memory_space<hbm>>) dst(%arg6 : memref<32x1024xf32, #tpu.memory_space<vmem>>)
    %add3A_142 = arith.constant 160 : i32
    %add3A_143 = arith.addi %mul3A_2, %add3A_142 : i32
    %dma_wait3A_144 = arith.constant 0 : i32
    %dma_wait3A_145 = tpu.memref_slice %arg4[%add3A_143, %dma_wait3A_144] : memref<16384x1024xf32, #tpu.memory_space<hbm>> -> memref<32x1024xf32, #tpu.memory_space<hbm>>
    %dma_wait3A_146 = arith.constant 0 : i32
    %dma_wait3A_147 = tpu.memref_slice %arg4[%add3A_143, %dma_wait3A_146] : memref<16384x1024xf32, #tpu.memory_space<hbm>> -> memref<32x1024xf32, #tpu.memory_space<hbm>>
    tpu.wait_dma2 semaphore(%arg14 : memref<!tpu.dma_semaphore, #tpu.memory_space<semaphore_mem>>) src(%arg8 : memref<32x1024xf32, #tpu.memory_space<vmem>>) dst(%dma_wait3A_147 : memref<32x1024xf32, #tpu.memory_space<hbm>>)
    %dma_start3A_148 = arith.constant 256 : i32
    %dma_start3A_149 = tpu.memref_slice %arg5[%dma_start3A_148] : memref<512xi32, #tpu.memory_space<vmem>> -> memref<32xi32, #tpu.memory_space<vmem>>
    %dma_start3A_150 = arith.constant 0 : i32
    %dma_start3A_151 = arith.constant 0 : i32
    %dma_start3A_152 = tpu.memref_slice %arg2[%dma_start3A_150, %dma_start3A_151] : memref<100000x1024xf32, #tpu.memory_space<hbm>> -> memref<100000x1024xf32, #tpu.memory_space<hbm>>
    tpu.enqueue_indirect_dma source(%dma_start3A_152 : memref<100000x1024xf32, #tpu.memory_space<hbm>>) target(%arg8 : memref<32x1024xf32, #tpu.memory_space<vmem>>) offsets(%dma_start3A_149 : memref<32xi32, #tpu.memory_space<vmem>>) semaphore(%arg11 : memref<!tpu.dma_semaphore, #tpu.memory_space<semaphore_mem>>)
    %add3A_153 = arith.constant 192 : i32
    %add3A_154 = arith.addi %mul3A_2, %add3A_153 : i32
    %dma_start3A_155 = arith.constant 0 : i32
    %dma_start3A_156 = tpu.memref_slice %arg4[%add3A_154, %dma_start3A_155] : memref<16384x1024xf32, #tpu.memory_space<hbm>> -> memref<32x1024xf32, #tpu.memory_space<hbm>>
    %dma_start3A_157 = arith.constant 0 : i32
    %dma_start3A_158 = tpu.memref_slice %arg4[%add3A_154, %dma_start3A_157] : memref<16384x1024xf32, #tpu.memory_space<hbm>> -> memref<32x1024xf32, #tpu.memory_space<hbm>>
    tpu.enqueue_dma source(%arg6 : memref<32x1024xf32, #tpu.memory_space<vmem>>) target(%dma_start3A_158 : memref<32x1024xf32, #tpu.memory_space<hbm>>) target_semaphore(%arg12 : memref<!tpu.dma_semaphore, #tpu.memory_space<semaphore_mem>>)
    %dma_wait3A_159 = arith.constant 224 : i32
    %dma_wait3A_160 = tpu.memref_slice %arg5[%dma_wait3A_159] : memref<512xi32, #tpu.memory_space<vmem>> -> memref<32xi32, #tpu.memory_space<vmem>>
    %dma_wait3A_161 = arith.constant 0 : i32
    %dma_wait3A_162 = arith.constant 0 : i32
    %dma_wait3A_163 = tpu.memref_slice %arg2[%dma_wait3A_161, %dma_wait3A_162] : memref<100000x1024xf32, #tpu.memory_space<hbm>> -> memref<100000x1024xf32, #tpu.memory_space<hbm>>
    tpu.wait_indirect_dma semaphore(%arg10 : memref<!tpu.dma_semaphore, #tpu.memory_space<semaphore_mem>>) src(%dma_wait3A_163 : memref<100000x1024xf32, #tpu.memory_space<hbm>>) dst(%arg7 : memref<32x1024xf32, #tpu.memory_space<vmem>>)
    %add3A_164 = arith.constant 192 : i32
    %add3A_165 = arith.addi %mul3A_2, %add3A_164 : i32
    %dma_wait3A_166 = arith.constant 0 : i32
    %dma_wait3A_167 = tpu.memref_slice %arg4[%add3A_165, %dma_wait3A_166] : memref<16384x1024xf32, #tpu.memory_space<hbm>> -> memref<32x1024xf32, #tpu.memory_space<hbm>>
    %dma_wait3A_168 = arith.constant 0 : i32
    %dma_wait3A_169 = tpu.memref_slice %arg4[%add3A_165, %dma_wait3A_168] : memref<16384x1024xf32, #tpu.memory_space<hbm>> -> memref<32x1024xf32, #tpu.memory_space<hbm>>
    tpu.wait_dma2 semaphore(%arg12 : memref<!tpu.dma_semaphore, #tpu.memory_space<semaphore_mem>>) src(%arg6 : memref<32x1024xf32, #tpu.memory_space<vmem>>) dst(%dma_wait3A_169 : memref<32x1024xf32, #tpu.memory_space<hbm>>)
    %dma_start3A_170 = arith.constant 288 : i32
    %dma_start3A_171 = tpu.memref_slice %arg5[%dma_start3A_170] : memref<512xi32, #tpu.memory_space<vmem>> -> memref<32xi32, #tpu.memory_space<vmem>>
    %dma_start3A_172 = arith.constant 0 : i32
    %dma_start3A_173 = arith.constant 0 : i32
    %dma_start3A_174 = tpu.memref_slice %arg2[%dma_start3A_172, %dma_start3A_173] : memref<100000x1024xf32, #tpu.memory_space<hbm>> -> memref<100000x1024xf32, #tpu.memory_space<hbm>>
    tpu.enqueue_indirect_dma source(%dma_start3A_174 : memref<100000x1024xf32, #tpu.memory_space<hbm>>) target(%arg6 : memref<32x1024xf32, #tpu.memory_space<vmem>>) offsets(%dma_start3A_171 : memref<32xi32, #tpu.memory_space<vmem>>) semaphore(%arg9 : memref<!tpu.dma_semaphore, #tpu.memory_space<semaphore_mem>>)
    %add3A_175 = arith.constant 224 : i32
    %add3A_176 = arith.addi %mul3A_2, %add3A_175 : i32
    %dma_start3A_177 = arith.constant 0 : i32
    %dma_start3A_178 = tpu.memref_slice %arg4[%add3A_176, %dma_start3A_177] : memref<16384x1024xf32, #tpu.memory_space<hbm>> -> memref<32x1024xf32, #tpu.memory_space<hbm>>
    %dma_start3A_179 = arith.constant 0 : i32
    %dma_start3A_180 = tpu.memref_slice %arg4[%add3A_176, %dma_start3A_179] : memref<16384x1024xf32, #tpu.memory_space<hbm>> -> memref<32x1024xf32, #tpu.memory_space<hbm>>
    tpu.enqueue_dma source(%arg7 : memref<32x1024xf32, #tpu.memory_space<vmem>>) target(%dma_start3A_180 : memref<32x1024xf32, #tpu.memory_space<hbm>>) target_semaphore(%arg13 : memref<!tpu.dma_semaphore, #tpu.memory_space<semaphore_mem>>)
    %dma_wait3A_181 = arith.constant 256 : i32
    %dma_wait3A_182 = tpu.memref_slice %arg5[%dma_wait3A_181] : memref<512xi32, #tpu.memory_space<vmem>> -> memref<32xi32, #tpu.memory_space<vmem>>
    %dma_wait3A_183 = arith.constant 0 : i32
    %dma_wait3A_184 = arith.constant 0 : i32
    %dma_wait3A_185 = tpu.memref_slice %arg2[%dma_wait3A_183, %dma_wait3A_184] : memref<100000x1024xf32, #tpu.memory_space<hbm>> -> memref<100000x1024xf32, #tpu.memory_space<hbm>>
    tpu.wait_indirect_dma semaphore(%arg11 : memref<!tpu.dma_semaphore, #tpu.memory_space<semaphore_mem>>) src(%dma_wait3A_185 : memref<100000x1024xf32, #tpu.memory_space<hbm>>) dst(%arg8 : memref<32x1024xf32, #tpu.memory_space<vmem>>)
    %add3A_186 = arith.constant 224 : i32
    %add3A_187 = arith.addi %mul3A_2, %add3A_186 : i32
    %dma_wait3A_188 = arith.constant 0 : i32
    %dma_wait3A_189 = tpu.memref_slice %arg4[%add3A_187, %dma_wait3A_188] : memref<16384x1024xf32, #tpu.memory_space<hbm>> -> memref<32x1024xf32, #tpu.memory_space<hbm>>
    %dma_wait3A_190 = arith.constant 0 : i32
    %dma_wait3A_191 = tpu.memref_slice %arg4[%add3A_187, %dma_wait3A_190] : memref<16384x1024xf32, #tpu.memory_space<hbm>> -> memref<32x1024xf32, #tpu.memory_space<hbm>>
    tpu.wait_dma2 semaphore(%arg13 : memref<!tpu.dma_semaphore, #tpu.memory_space<semaphore_mem>>) src(%arg7 : memref<32x1024xf32, #tpu.memory_space<vmem>>) dst(%dma_wait3A_191 : memref<32x1024xf32, #tpu.memory_space<hbm>>)
    %dma_start3A_192 = arith.constant 320 : i32
    %dma_start3A_193 = tpu.memref_slice %arg5[%dma_start3A_192] : memref<512xi32, #tpu.memory_space<vmem>> -> memref<32xi32, #tpu.memory_space<vmem>>
    %dma_start3A_194 = arith.constant 0 : i32
    %dma_start3A_195 = arith.constant 0 : i32
    %dma_start3A_196 = tpu.memref_slice %arg2[%dma_start3A_194, %dma_start3A_195] : memref<100000x1024xf32, #tpu.memory_space<hbm>> -> memref<100000x1024xf32, #tpu.memory_space<hbm>>
    tpu.enqueue_indirect_dma source(%dma_start3A_196 : memref<100000x1024xf32, #tpu.memory_space<hbm>>) target(%arg7 : memref<32x1024xf32, #tpu.memory_space<vmem>>) offsets(%dma_start3A_193 : memref<32xi32, #tpu.memory_space<vmem>>) semaphore(%arg10 : memref<!tpu.dma_semaphore, #tpu.memory_space<semaphore_mem>>)
    %add3A_197 = arith.constant 256 : i32
    %add3A_198 = arith.addi %mul3A_2, %add3A_197 : i32
    %dma_start3A_199 = arith.constant 0 : i32
    %dma_start3A_200 = tpu.memref_slice %arg4[%add3A_198, %dma_start3A_199] : memref<16384x1024xf32, #tpu.memory_space<hbm>> -> memref<32x1024xf32, #tpu.memory_space<hbm>>
    %dma_start3A_201 = arith.constant 0 : i32
    %dma_start3A_202 = tpu.memref_slice %arg4[%add3A_198, %dma_start3A_201] : memref<16384x1024xf32, #tpu.memory_space<hbm>> -> memref<32x1024xf32, #tpu.memory_space<hbm>>
    tpu.enqueue_dma source(%arg8 : memref<32x1024xf32, #tpu.memory_space<vmem>>) target(%dma_start3A_202 : memref<32x1024xf32, #tpu.memory_space<hbm>>) target_semaphore(%arg14 : memref<!tpu.dma_semaphore, #tpu.memory_space<semaphore_mem>>)
    %dma_wait3A_203 = arith.constant 288 : i32
    %dma_wait3A_204 = tpu.memref_slice %arg5[%dma_wait3A_203] : memref<512xi32, #tpu.memory_space<vmem>> -> memref<32xi32, #tpu.memory_space<vmem>>
    %dma_wait3A_205 = arith.constant 0 : i32
    %dma_wait3A_206 = arith.constant 0 : i32
    %dma_wait3A_207 = tpu.memref_slice %arg2[%dma_wait3A_205, %dma_wait3A_206] : memref<100000x1024xf32, #tpu.memory_space<hbm>> -> memref<100000x1024xf32, #tpu.memory_space<hbm>>
    tpu.wait_indirect_dma semaphore(%arg9 : memref<!tpu.dma_semaphore, #tpu.memory_space<semaphore_mem>>) src(%dma_wait3A_207 : memref<100000x1024xf32, #tpu.memory_space<hbm>>) dst(%arg6 : memref<32x1024xf32, #tpu.memory_space<vmem>>)
    %add3A_208 = arith.constant 256 : i32
    %add3A_209 = arith.addi %mul3A_2, %add3A_208 : i32
    %dma_wait3A_210 = arith.constant 0 : i32
    %dma_wait3A_211 = tpu.memref_slice %arg4[%add3A_209, %dma_wait3A_210] : memref<16384x1024xf32, #tpu.memory_space<hbm>> -> memref<32x1024xf32, #tpu.memory_space<hbm>>
    %dma_wait3A_212 = arith.constant 0 : i32
    %dma_wait3A_213 = tpu.memref_slice %arg4[%add3A_209, %dma_wait3A_212] : memref<16384x1024xf32, #tpu.memory_space<hbm>> -> memref<32x1024xf32, #tpu.memory_space<hbm>>
    tpu.wait_dma2 semaphore(%arg14 : memref<!tpu.dma_semaphore, #tpu.memory_space<semaphore_mem>>) src(%arg8 : memref<32x1024xf32, #tpu.memory_space<vmem>>) dst(%dma_wait3A_213 : memref<32x1024xf32, #tpu.memory_space<hbm>>)
    %dma_start3A_214 = arith.constant 352 : i32
    %dma_start3A_215 = tpu.memref_slice %arg5[%dma_start3A_214] : memref<512xi32, #tpu.memory_space<vmem>> -> memref<32xi32, #tpu.memory_space<vmem>>
    %dma_start3A_216 = arith.constant 0 : i32
    %dma_start3A_217 = arith.constant 0 : i32
    %dma_start3A_218 = tpu.memref_slice %arg2[%dma_start3A_216, %dma_start3A_217] : memref<100000x1024xf32, #tpu.memory_space<hbm>> -> memref<100000x1024xf32, #tpu.memory_space<hbm>>
    tpu.enqueue_indirect_dma source(%dma_start3A_218 : memref<100000x1024xf32, #tpu.memory_space<hbm>>) target(%arg8 : memref<32x1024xf32, #tpu.memory_space<vmem>>) offsets(%dma_start3A_215 : memref<32xi32, #tpu.memory_space<vmem>>) semaphore(%arg11 : memref<!tpu.dma_semaphore, #tpu.memory_space<semaphore_mem>>)
    %add3A_219 = arith.constant 288 : i32
    %add3A_220 = arith.addi %mul3A_2, %add3A_219 : i32
    %dma_start3A_221 = arith.constant 0 : i32
    %dma_start3A_222 = tpu.memref_slice %arg4[%add3A_220, %dma_start3A_221] : memref<16384x1024xf32, #tpu.memory_space<hbm>> -> memref<32x1024xf32, #tpu.memory_space<hbm>>
    %dma_start3A_223 = arith.constant 0 : i32
    %dma_start3A_224 = tpu.memref_slice %arg4[%add3A_220, %dma_start3A_223] : memref<16384x1024xf32, #tpu.memory_space<hbm>> -> memref<32x1024xf32, #tpu.memory_space<hbm>>
    tpu.enqueue_dma source(%arg6 : memref<32x1024xf32, #tpu.memory_space<vmem>>) target(%dma_start3A_224 : memref<32x1024xf32, #tpu.memory_space<hbm>>) target_semaphore(%arg12 : memref<!tpu.dma_semaphore, #tpu.memory_space<semaphore_mem>>)
    %dma_wait3A_225 = arith.constant 320 : i32
    %dma_wait3A_226 = tpu.memref_slice %arg5[%dma_wait3A_225] : memref<512xi32, #tpu.memory_space<vmem>> -> memref<32xi32, #tpu.memory_space<vmem>>
    %dma_wait3A_227 = arith.constant 0 : i32
    %dma_wait3A_228 = arith.constant 0 : i32
    %dma_wait3A_229 = tpu.memref_slice %arg2[%dma_wait3A_227, %dma_wait3A_228] : memref<100000x1024xf32, #tpu.memory_space<hbm>> -> memref<100000x1024xf32, #tpu.memory_space<hbm>>
    tpu.wait_indirect_dma semaphore(%arg10 : memref<!tpu.dma_semaphore, #tpu.memory_space<semaphore_mem>>) src(%dma_wait3A_229 : memref<100000x1024xf32, #tpu.memory_space<hbm>>) dst(%arg7 : memref<32x1024xf32, #tpu.memory_space<vmem>>)
    %add3A_230 = arith.constant 288 : i32
    %add3A_231 = arith.addi %mul3A_2, %add3A_230 : i32
    %dma_wait3A_232 = arith.constant 0 : i32
    %dma_wait3A_233 = tpu.memref_slice %arg4[%add3A_231, %dma_wait3A_232] : memref<16384x1024xf32, #tpu.memory_space<hbm>> -> memref<32x1024xf32, #tpu.memory_space<hbm>>
    %dma_wait3A_234 = arith.constant 0 : i32
    %dma_wait3A_235 = tpu.memref_slice %arg4[%add3A_231, %dma_wait3A_234] : memref<16384x1024xf32, #tpu.memory_space<hbm>> -> memref<32x1024xf32, #tpu.memory_space<hbm>>
    tpu.wait_dma2 semaphore(%arg12 : memref<!tpu.dma_semaphore, #tpu.memory_space<semaphore_mem>>) src(%arg6 : memref<32x1024xf32, #tpu.memory_space<vmem>>) dst(%dma_wait3A_235 : memref<32x1024xf32, #tpu.memory_space<hbm>>)
    %dma_start3A_236 = arith.constant 384 : i32
    %dma_start3A_237 = tpu.memref_slice %arg5[%dma_start3A_236] : memref<512xi32, #tpu.memory_space<vmem>> -> memref<32xi32, #tpu.memory_space<vmem>>
    %dma_start3A_238 = arith.constant 0 : i32
    %dma_start3A_239 = arith.constant 0 : i32
    %dma_start3A_240 = tpu.memref_slice %arg2[%dma_start3A_238, %dma_start3A_239] : memref<100000x1024xf32, #tpu.memory_space<hbm>> -> memref<100000x1024xf32, #tpu.memory_space<hbm>>
    tpu.enqueue_indirect_dma source(%dma_start3A_240 : memref<100000x1024xf32, #tpu.memory_space<hbm>>) target(%arg6 : memref<32x1024xf32, #tpu.memory_space<vmem>>) offsets(%dma_start3A_237 : memref<32xi32, #tpu.memory_space<vmem>>) semaphore(%arg9 : memref<!tpu.dma_semaphore, #tpu.memory_space<semaphore_mem>>)
    %add3A_241 = arith.constant 320 : i32
    %add3A_242 = arith.addi %mul3A_2, %add3A_241 : i32
    %dma_start3A_243 = arith.constant 0 : i32
    %dma_start3A_244 = tpu.memref_slice %arg4[%add3A_242, %dma_start3A_243] : memref<16384x1024xf32, #tpu.memory_space<hbm>> -> memref<32x1024xf32, #tpu.memory_space<hbm>>
    %dma_start3A_245 = arith.constant 0 : i32
    %dma_start3A_246 = tpu.memref_slice %arg4[%add3A_242, %dma_start3A_245] : memref<16384x1024xf32, #tpu.memory_space<hbm>> -> memref<32x1024xf32, #tpu.memory_space<hbm>>
    tpu.enqueue_dma source(%arg7 : memref<32x1024xf32, #tpu.memory_space<vmem>>) target(%dma_start3A_246 : memref<32x1024xf32, #tpu.memory_space<hbm>>) target_semaphore(%arg13 : memref<!tpu.dma_semaphore, #tpu.memory_space<semaphore_mem>>)
    %dma_wait3A_247 = arith.constant 352 : i32
    %dma_wait3A_248 = tpu.memref_slice %arg5[%dma_wait3A_247] : memref<512xi32, #tpu.memory_space<vmem>> -> memref<32xi32, #tpu.memory_space<vmem>>
    %dma_wait3A_249 = arith.constant 0 : i32
    %dma_wait3A_250 = arith.constant 0 : i32
    %dma_wait3A_251 = tpu.memref_slice %arg2[%dma_wait3A_249, %dma_wait3A_250] : memref<100000x1024xf32, #tpu.memory_space<hbm>> -> memref<100000x1024xf32, #tpu.memory_space<hbm>>
    tpu.wait_indirect_dma semaphore(%arg11 : memref<!tpu.dma_semaphore, #tpu.memory_space<semaphore_mem>>) src(%dma_wait3A_251 : memref<100000x1024xf32, #tpu.memory_space<hbm>>) dst(%arg8 : memref<32x1024xf32, #tpu.memory_space<vmem>>)
    %add3A_252 = arith.constant 320 : i32
    %add3A_253 = arith.addi %mul3A_2, %add3A_252 : i32
    %dma_wait3A_254 = arith.constant 0 : i32
    %dma_wait3A_255 = tpu.memref_slice %arg4[%add3A_253, %dma_wait3A_254] : memref<16384x1024xf32, #tpu.memory_space<hbm>> -> memref<32x1024xf32, #tpu.memory_space<hbm>>
    %dma_wait3A_256 = arith.constant 0 : i32
    %dma_wait3A_257 = tpu.memref_slice %arg4[%add3A_253, %dma_wait3A_256] : memref<16384x1024xf32, #tpu.memory_space<hbm>> -> memref<32x1024xf32, #tpu.memory_space<hbm>>
    tpu.wait_dma2 semaphore(%arg13 : memref<!tpu.dma_semaphore, #tpu.memory_space<semaphore_mem>>) src(%arg7 : memref<32x1024xf32, #tpu.memory_space<vmem>>) dst(%dma_wait3A_257 : memref<32x1024xf32, #tpu.memory_space<hbm>>)
    %dma_start3A_258 = arith.constant 416 : i32
    %dma_start3A_259 = tpu.memref_slice %arg5[%dma_start3A_258] : memref<512xi32, #tpu.memory_space<vmem>> -> memref<32xi32, #tpu.memory_space<vmem>>
    %dma_start3A_260 = arith.constant 0 : i32
    %dma_start3A_261 = arith.constant 0 : i32
    %dma_start3A_262 = tpu.memref_slice %arg2[%dma_start3A_260, %dma_start3A_261] : memref<100000x1024xf32, #tpu.memory_space<hbm>> -> memref<100000x1024xf32, #tpu.memory_space<hbm>>
    tpu.enqueue_indirect_dma source(%dma_start3A_262 : memref<100000x1024xf32, #tpu.memory_space<hbm>>) target(%arg7 : memref<32x1024xf32, #tpu.memory_space<vmem>>) offsets(%dma_start3A_259 : memref<32xi32, #tpu.memory_space<vmem>>) semaphore(%arg10 : memref<!tpu.dma_semaphore, #tpu.memory_space<semaphore_mem>>)
    %add3A_263 = arith.constant 352 : i32
    %add3A_264 = arith.addi %mul3A_2, %add3A_263 : i32
    %dma_start3A_265 = arith.constant 0 : i32
    %dma_start3A_266 = tpu.memref_slice %arg4[%add3A_264, %dma_start3A_265] : memref<16384x1024xf32, #tpu.memory_space<hbm>> -> memref<32x1024xf32, #tpu.memory_space<hbm>>
    %dma_start3A_267 = arith.constant 0 : i32
    %dma_start3A_268 = tpu.memref_slice %arg4[%add3A_264, %dma_start3A_267] : memref<16384x1024xf32, #tpu.memory_space<hbm>> -> memref<32x1024xf32, #tpu.memory_space<hbm>>
    tpu.enqueue_dma source(%arg8 : memref<32x1024xf32, #tpu.memory_space<vmem>>) target(%dma_start3A_268 : memref<32x1024xf32, #tpu.memory_space<hbm>>) target_semaphore(%arg14 : memref<!tpu.dma_semaphore, #tpu.memory_space<semaphore_mem>>)
    %dma_wait3A_269 = arith.constant 384 : i32
    %dma_wait3A_270 = tpu.memref_slice %arg5[%dma_wait3A_269] : memref<512xi32, #tpu.memory_space<vmem>> -> memref<32xi32, #tpu.memory_space<vmem>>
    %dma_wait3A_271 = arith.constant 0 : i32
    %dma_wait3A_272 = arith.constant 0 : i32
    %dma_wait3A_273 = tpu.memref_slice %arg2[%dma_wait3A_271, %dma_wait3A_272] : memref<100000x1024xf32, #tpu.memory_space<hbm>> -> memref<100000x1024xf32, #tpu.memory_space<hbm>>
    tpu.wait_indirect_dma semaphore(%arg9 : memref<!tpu.dma_semaphore, #tpu.memory_space<semaphore_mem>>) src(%dma_wait3A_273 : memref<100000x1024xf32, #tpu.memory_space<hbm>>) dst(%arg6 : memref<32x1024xf32, #tpu.memory_space<vmem>>)
    %add3A_274 = arith.constant 352 : i32
    %add3A_275 = arith.addi %mul3A_2, %add3A_274 : i32
    %dma_wait3A_276 = arith.constant 0 : i32
    %dma_wait3A_277 = tpu.memref_slice %arg4[%add3A_275, %dma_wait3A_276] : memref<16384x1024xf32, #tpu.memory_space<hbm>> -> memref<32x1024xf32, #tpu.memory_space<hbm>>
    %dma_wait3A_278 = arith.constant 0 : i32
    %dma_wait3A_279 = tpu.memref_slice %arg4[%add3A_275, %dma_wait3A_278] : memref<16384x1024xf32, #tpu.memory_space<hbm>> -> memref<32x1024xf32, #tpu.memory_space<hbm>>
    tpu.wait_dma2 semaphore(%arg14 : memref<!tpu.dma_semaphore, #tpu.memory_space<semaphore_mem>>) src(%arg8 : memref<32x1024xf32, #tpu.memory_space<vmem>>) dst(%dma_wait3A_279 : memref<32x1024xf32, #tpu.memory_space<hbm>>)
    %dma_start3A_280 = arith.constant 448 : i32
    %dma_start3A_281 = tpu.memref_slice %arg5[%dma_start3A_280] : memref<512xi32, #tpu.memory_space<vmem>> -> memref<32xi32, #tpu.memory_space<vmem>>
    %dma_start3A_282 = arith.constant 0 : i32
    %dma_start3A_283 = arith.constant 0 : i32
    %dma_start3A_284 = tpu.memref_slice %arg2[%dma_start3A_282, %dma_start3A_283] : memref<100000x1024xf32, #tpu.memory_space<hbm>> -> memref<100000x1024xf32, #tpu.memory_space<hbm>>
    tpu.enqueue_indirect_dma source(%dma_start3A_284 : memref<100000x1024xf32, #tpu.memory_space<hbm>>) target(%arg8 : memref<32x1024xf32, #tpu.memory_space<vmem>>) offsets(%dma_start3A_281 : memref<32xi32, #tpu.memory_space<vmem>>) semaphore(%arg11 : memref<!tpu.dma_semaphore, #tpu.memory_space<semaphore_mem>>)
    %add3A_285 = arith.constant 384 : i32
    %add3A_286 = arith.addi %mul3A_2, %add3A_285 : i32
    %dma_start3A_287 = arith.constant 0 : i32
    %dma_start3A_288 = tpu.memref_slice %arg4[%add3A_286, %dma_start3A_287] : memref<16384x1024xf32, #tpu.memory_space<hbm>> -> memref<32x1024xf32, #tpu.memory_space<hbm>>
    %dma_start3A_289 = arith.constant 0 : i32
    %dma_start3A_290 = tpu.memref_slice %arg4[%add3A_286, %dma_start3A_289] : memref<16384x1024xf32, #tpu.memory_space<hbm>> -> memref<32x1024xf32, #tpu.memory_space<hbm>>
    tpu.enqueue_dma source(%arg6 : memref<32x1024xf32, #tpu.memory_space<vmem>>) target(%dma_start3A_290 : memref<32x1024xf32, #tpu.memory_space<hbm>>) target_semaphore(%arg12 : memref<!tpu.dma_semaphore, #tpu.memory_space<semaphore_mem>>)
    %dma_wait3A_291 = arith.constant 416 : i32
    %dma_wait3A_292 = tpu.memref_slice %arg5[%dma_wait3A_291] : memref<512xi32, #tpu.memory_space<vmem>> -> memref<32xi32, #tpu.memory_space<vmem>>
    %dma_wait3A_293 = arith.constant 0 : i32
    %dma_wait3A_294 = arith.constant 0 : i32
    %dma_wait3A_295 = tpu.memref_slice %arg2[%dma_wait3A_293, %dma_wait3A_294] : memref<100000x1024xf32, #tpu.memory_space<hbm>> -> memref<100000x1024xf32, #tpu.memory_space<hbm>>
    tpu.wait_indirect_dma semaphore(%arg10 : memref<!tpu.dma_semaphore, #tpu.memory_space<semaphore_mem>>) src(%dma_wait3A_295 : memref<100000x1024xf32, #tpu.memory_space<hbm>>) dst(%arg7 : memref<32x1024xf32, #tpu.memory_space<vmem>>)
    %add3A_296 = arith.constant 384 : i32
    %add3A_297 = arith.addi %mul3A_2, %add3A_296 : i32
    %dma_wait3A_298 = arith.constant 0 : i32
    %dma_wait3A_299 = tpu.memref_slice %arg4[%add3A_297, %dma_wait3A_298] : memref<16384x1024xf32, #tpu.memory_space<hbm>> -> memref<32x1024xf32, #tpu.memory_space<hbm>>
    %dma_wait3A_300 = arith.constant 0 : i32
    %dma_wait3A_301 = tpu.memref_slice %arg4[%add3A_297, %dma_wait3A_300] : memref<16384x1024xf32, #tpu.memory_space<hbm>> -> memref<32x1024xf32, #tpu.memory_space<hbm>>
    tpu.wait_dma2 semaphore(%arg12 : memref<!tpu.dma_semaphore, #tpu.memory_space<semaphore_mem>>) src(%arg6 : memref<32x1024xf32, #tpu.memory_space<vmem>>) dst(%dma_wait3A_301 : memref<32x1024xf32, #tpu.memory_space<hbm>>)
    %dma_start3A_302 = arith.constant 480 : i32
    %dma_start3A_303 = tpu.memref_slice %arg5[%dma_start3A_302] : memref<512xi32, #tpu.memory_space<vmem>> -> memref<32xi32, #tpu.memory_space<vmem>>
    %dma_start3A_304 = arith.constant 0 : i32
    %dma_start3A_305 = arith.constant 0 : i32
    %dma_start3A_306 = tpu.memref_slice %arg2[%dma_start3A_304, %dma_start3A_305] : memref<100000x1024xf32, #tpu.memory_space<hbm>> -> memref<100000x1024xf32, #tpu.memory_space<hbm>>
    tpu.enqueue_indirect_dma source(%dma_start3A_306 : memref<100000x1024xf32, #tpu.memory_space<hbm>>) target(%arg6 : memref<32x1024xf32, #tpu.memory_space<vmem>>) offsets(%dma_start3A_303 : memref<32xi32, #tpu.memory_space<vmem>>) semaphore(%arg9 : memref<!tpu.dma_semaphore, #tpu.memory_space<semaphore_mem>>)
    %add3A_307 = arith.constant 416 : i32
    %add3A_308 = arith.addi %mul3A_2, %add3A_307 : i32
    %dma_start3A_309 = arith.constant 0 : i32
    %dma_start3A_310 = tpu.memref_slice %arg4[%add3A_308, %dma_start3A_309] : memref<16384x1024xf32, #tpu.memory_space<hbm>> -> memref<32x1024xf32, #tpu.memory_space<hbm>>
    %dma_start3A_311 = arith.constant 0 : i32
    %dma_start3A_312 = tpu.memref_slice %arg4[%add3A_308, %dma_start3A_311] : memref<16384x1024xf32, #tpu.memory_space<hbm>> -> memref<32x1024xf32, #tpu.memory_space<hbm>>
    tpu.enqueue_dma source(%arg7 : memref<32x1024xf32, #tpu.memory_space<vmem>>) target(%dma_start3A_312 : memref<32x1024xf32, #tpu.memory_space<hbm>>) target_semaphore(%arg13 : memref<!tpu.dma_semaphore, #tpu.memory_space<semaphore_mem>>)
    %dma_wait3A_313 = arith.constant 448 : i32
    %dma_wait3A_314 = tpu.memref_slice %arg5[%dma_wait3A_313] : memref<512xi32, #tpu.memory_space<vmem>> -> memref<32xi32, #tpu.memory_space<vmem>>
    %dma_wait3A_315 = arith.constant 0 : i32
    %dma_wait3A_316 = arith.constant 0 : i32
    %dma_wait3A_317 = tpu.memref_slice %arg2[%dma_wait3A_315, %dma_wait3A_316] : memref<100000x1024xf32, #tpu.memory_space<hbm>> -> memref<100000x1024xf32, #tpu.memory_space<hbm>>
    tpu.wait_indirect_dma semaphore(%arg11 : memref<!tpu.dma_semaphore, #tpu.memory_space<semaphore_mem>>) src(%dma_wait3A_317 : memref<100000x1024xf32, #tpu.memory_space<hbm>>) dst(%arg8 : memref<32x1024xf32, #tpu.memory_space<vmem>>)
    %add3A_318 = arith.constant 448 : i32
    %add3A_319 = arith.addi %mul3A_2, %add3A_318 : i32
    %dma_start3A_320 = arith.constant 0 : i32
    %dma_start3A_321 = tpu.memref_slice %arg4[%add3A_319, %dma_start3A_320] : memref<16384x1024xf32, #tpu.memory_space<hbm>> -> memref<32x1024xf32, #tpu.memory_space<hbm>>
    %dma_start3A_322 = arith.constant 0 : i32
    %dma_start3A_323 = tpu.memref_slice %arg4[%add3A_319, %dma_start3A_322] : memref<16384x1024xf32, #tpu.memory_space<hbm>> -> memref<32x1024xf32, #tpu.memory_space<hbm>>
    tpu.enqueue_dma source(%arg8 : memref<32x1024xf32, #tpu.memory_space<vmem>>) target(%dma_start3A_323 : memref<32x1024xf32, #tpu.memory_space<hbm>>) target_semaphore(%arg14 : memref<!tpu.dma_semaphore, #tpu.memory_space<semaphore_mem>>)
    %dma_wait3A_324 = arith.constant 480 : i32
    %dma_wait3A_325 = tpu.memref_slice %arg5[%dma_wait3A_324] : memref<512xi32, #tpu.memory_space<vmem>> -> memref<32xi32, #tpu.memory_space<vmem>>
    %dma_wait3A_326 = arith.constant 0 : i32
    %dma_wait3A_327 = arith.constant 0 : i32
    %dma_wait3A_328 = tpu.memref_slice %arg2[%dma_wait3A_326, %dma_wait3A_327] : memref<100000x1024xf32, #tpu.memory_space<hbm>> -> memref<100000x1024xf32, #tpu.memory_space<hbm>>
    tpu.wait_indirect_dma semaphore(%arg9 : memref<!tpu.dma_semaphore, #tpu.memory_space<semaphore_mem>>) src(%dma_wait3A_328 : memref<100000x1024xf32, #tpu.memory_space<hbm>>) dst(%arg6 : memref<32x1024xf32, #tpu.memory_space<vmem>>)
    %add3A_329 = arith.constant 480 : i32
    %add3A_330 = arith.addi %mul3A_2, %add3A_329 : i32
    %dma_start3A_331 = arith.constant 0 : i32
    %dma_start3A_332 = tpu.memref_slice %arg4[%add3A_330, %dma_start3A_331] : memref<16384x1024xf32, #tpu.memory_space<hbm>> -> memref<32x1024xf32, #tpu.memory_space<hbm>>
    %dma_start3A_333 = arith.constant 0 : i32
    %dma_start3A_334 = tpu.memref_slice %arg4[%add3A_330, %dma_start3A_333] : memref<16384x1024xf32, #tpu.memory_space<hbm>> -> memref<32x1024xf32, #tpu.memory_space<hbm>>
    tpu.enqueue_dma source(%arg6 : memref<32x1024xf32, #tpu.memory_space<vmem>>) target(%dma_start3A_334 : memref<32x1024xf32, #tpu.memory_space<hbm>>) target_semaphore(%arg12 : memref<!tpu.dma_semaphore, #tpu.memory_space<semaphore_mem>>)
    %add3A_335 = arith.constant 416 : i32
    %add3A_336 = arith.addi %mul3A_2, %add3A_335 : i32
    %dma_wait3A_337 = arith.constant 0 : i32
    %dma_wait3A_338 = tpu.memref_slice %arg4[%add3A_336, %dma_wait3A_337] : memref<16384x1024xf32, #tpu.memory_space<hbm>> -> memref<32x1024xf32, #tpu.memory_space<hbm>>
    %dma_wait3A_339 = arith.constant 0 : i32
    %dma_wait3A_340 = tpu.memref_slice %arg4[%add3A_336, %dma_wait3A_339] : memref<16384x1024xf32, #tpu.memory_space<hbm>> -> memref<32x1024xf32, #tpu.memory_space<hbm>>
    tpu.wait_dma2 semaphore(%arg13 : memref<!tpu.dma_semaphore, #tpu.memory_space<semaphore_mem>>) src(%arg7 : memref<32x1024xf32, #tpu.memory_space<vmem>>) dst(%dma_wait3A_340 : memref<32x1024xf32, #tpu.memory_space<hbm>>)
    %add3A_341 = arith.constant 448 : i32
    %add3A_342 = arith.addi %mul3A_2, %add3A_341 : i32
    %dma_wait3A_343 = arith.constant 0 : i32
    %dma_wait3A_344 = tpu.memref_slice %arg4[%add3A_342, %dma_wait3A_343] : memref<16384x1024xf32, #tpu.memory_space<hbm>> -> memref<32x1024xf32, #tpu.memory_space<hbm>>
    %dma_wait3A_345 = arith.constant 0 : i32
    %dma_wait3A_346 = tpu.memref_slice %arg4[%add3A_342, %dma_wait3A_345] : memref<16384x1024xf32, #tpu.memory_space<hbm>> -> memref<32x1024xf32, #tpu.memory_space<hbm>>
    tpu.wait_dma2 semaphore(%arg14 : memref<!tpu.dma_semaphore, #tpu.memory_space<semaphore_mem>>) src(%arg8 : memref<32x1024xf32, #tpu.memory_space<vmem>>) dst(%dma_wait3A_346 : memref<32x1024xf32, #tpu.memory_space<hbm>>)
    %add3A_347 = arith.constant 480 : i32
    %add3A_348 = arith.addi %mul3A_2, %add3A_347 : i32
    %dma_wait3A_349 = arith.constant 0 : i32
    %dma_wait3A_350 = tpu.memref_slice %arg4[%add3A_348, %dma_wait3A_349] : memref<16384x1024xf32, #tpu.memory_space<hbm>> -> memref<32x1024xf32, #tpu.memory_space<hbm>>
    %dma_wait3A_351 = arith.constant 0 : i32
    %dma_wait3A_352 = tpu.memref_slice %arg4[%add3A_348, %dma_wait3A_351] : memref<16384x1024xf32, #tpu.memory_space<hbm>> -> memref<32x1024xf32, #tpu.memory_space<hbm>>
    tpu.wait_dma2 semaphore(%arg12 : memref<!tpu.dma_semaphore, #tpu.memory_space<semaphore_mem>>) src(%arg6 : memref<32x1024xf32, #tpu.memory_space<vmem>>) dst(%dma_wait3A_352 : memref<32x1024xf32, #tpu.memory_space<hbm>>)
    return
  }
}

module attributes {stable_mosaic.version = 14 : i64} {
  func.func @_rotary_body(%arg0: i32, %arg1: memref<1x512xf32, #tpu.memory_space<vmem>>, %arg2: memref<512x1xf32, #tpu.memory_space<vmem>>, %arg3: memref<512x1024xf32, #tpu.memory_space<vmem>>, %arg4: memref<512x1024xf32, #tpu.memory_space<vmem>>) attributes {dimension_semantics = [#tpu.dimension_semantics<arbitrary>], iteration_bounds = array<i64: 32>, scalar_prefetch = 0 : i64, scratch_operands = 0 : i64, tpu.core_type = #tpu.core_type<tc>, window_params = [{pipeline_mode = #tpu.pipeline_mode<synchronous>, transform_indices = @transform_0, window_bounds = array<i64: 1, 512>}, {transform_indices = @transform_1, window_bounds = array<i64: 512, 1>}, {transform_indices = @transform_2, window_bounds = array<i64: 512, 1024>}, {transform_indices = @transform_3, window_bounds = array<i64: 512, 1024>}]} {
    %get3A = arith.constant 0 : index
    %get3A_0 = arith.constant 0 : index
    %get3A_1 = vector.load %arg2[%get3A, %get3A_0] : memref<512x1xf32, #tpu.memory_space<vmem>>, vector<512x1xf32>
    %get3A_2 = arith.constant 0 : index
    %get3A_3 = arith.constant 0 : index
    %get3A_4 = vector.load %arg1[%get3A_2, %get3A_3] : memref<1x512xf32, #tpu.memory_space<vmem>>, vector<1x512xf32>
    %mul3A = vector.broadcast %get3A_1 : vector<512x1xf32> to vector<512x512xf32>
    %mul3A_5 = vector.broadcast %get3A_4 : vector<1x512xf32> to vector<512x512xf32>
    %mul3A_6 = arith.mulf %mul3A, %mul3A_5 : vector<512x512xf32>
    %round3A = math.roundeven %mul3A_6 : vector<512x512xf32>
    %sub3A = arith.subf %mul3A_6, %round3A : vector<512x512xf32>
    %mul3A_7 = arith.mulf %sub3A, %sub3A : vector<512x512xf32>
    %broadcast_in_dim3A = arith.constant -1.9090234 : f32
    %broadcast_in_dim3A_8 = vector.broadcast %broadcast_in_dim3A : f32 to vector<512x512xf32>
    %mul3A_9 = arith.mulf %broadcast_in_dim3A_8, %mul3A_7 : vector<512x512xf32>
    %add3A = arith.constant 1.92490733 : f32
    %add3A_10 = vector.broadcast %add3A : f32 to vector<512x512xf32>
    %add3A_11 = arith.addf %mul3A_9, %add3A_10 : vector<512x512xf32>
    %mul3A_12 = arith.mulf %add3A_11, %mul3A_7 : vector<512x512xf32>
    %add3A_13 = arith.constant -0.612221599 : f32
    %add3A_14 = vector.broadcast %add3A_13 : f32 to vector<512x512xf32>
    %add3A_15 = arith.addf %mul3A_12, %add3A_14 : vector<512x512xf32>
    %mul3A_16 = arith.mulf %add3A_15, %mul3A_7 : vector<512x512xf32>
    %add3A_17 = arith.constant 0.0312183425 : f32
    %add3A_18 = vector.broadcast %add3A_17 : f32 to vector<512x512xf32>
    %add3A_19 = arith.addf %mul3A_16, %add3A_18 : vector<512x512xf32>
    %broadcast_in_dim3A_20 = arith.constant -1.85144114 : f32
    %broadcast_in_dim3A_21 = vector.broadcast %broadcast_in_dim3A_20 : f32 to vector<512x512xf32>
    %mul3A_22 = arith.mulf %broadcast_in_dim3A_21, %mul3A_7 : vector<512x512xf32>
    %add3A_23 = arith.constant 2.47460532 : f32
    %add3A_24 = vector.broadcast %add3A_23 : f32 to vector<512x512xf32>
    %add3A_25 = arith.addf %mul3A_22, %add3A_24 : vector<512x512xf32>
    %mul3A_26 = arith.mulf %add3A_25, %mul3A_7 : vector<512x512xf32>
    %add3A_27 = arith.constant -1.28856337 : f32
    %add3A_28 = vector.broadcast %add3A_27 : f32 to vector<512x512xf32>
    %add3A_29 = arith.addf %mul3A_26, %add3A_28 : vector<512x512xf32>
    %mul3A_30 = arith.mulf %add3A_29, %mul3A_7 : vector<512x512xf32>
    %add3A_31 = arith.constant 0.196326464 : f32
    %add3A_32 = vector.broadcast %add3A_31 : f32 to vector<512x512xf32>
    %add3A_33 = arith.addf %mul3A_30, %add3A_32 : vector<512x512xf32>
    %mul3A_34 = arith.mulf %sub3A, %add3A_33 : vector<512x512xf32>
    %get3A_35 = arith.constant 0 : index
    %get3A_36 = arith.constant 0 : index
    %get3A_37 = vector.load %arg3[%get3A_35, %get3A_36] : memref<512x1024xf32, #tpu.memory_space<vmem>>, vector<512x512xf32>
    %get3A_38 = arith.constant 0 : index
    %get3A_39 = arith.constant 512 : index
    %get3A_40 = vector.load %arg3[%get3A_38, %get3A_39] : memref<512x1024xf32, #tpu.memory_space<vmem>>, vector<512x512xf32>
    %mul3A_41 = arith.mulf %get3A_37, %add3A_19 : vector<512x512xf32>
    %mul3A_42 = arith.mulf %get3A_40, %mul3A_34 : vector<512x512xf32>
    %sub3A_43 = arith.subf %mul3A_41, %mul3A_42 : vector<512x512xf32>
    %swap3A = arith.constant 0 : index
    %swap3A_44 = arith.constant 0 : index
    %swap3A_45 = vector.load %arg4[%swap3A, %swap3A_44] : memref<512x1024xf32, #tpu.memory_space<vmem>>, vector<512x512xf32>
    tpu.vector_store %arg4[%swap3A, %swap3A_44], %sub3A_43 {strides = array<i32>} : memref<512x1024xf32, #tpu.memory_space<vmem>>, vector<512x512xf32>,
    %mul3A_46 = arith.mulf %get3A_40, %add3A_19 : vector<512x512xf32>
    %mul3A_47 = arith.mulf %get3A_37, %mul3A_34 : vector<512x512xf32>
    %add3A_48 = arith.addf %mul3A_46, %mul3A_47 : vector<512x512xf32>
    %swap3A_49 = arith.constant 0 : index
    %swap3A_50 = arith.constant 512 : index
    %swap3A_51 = vector.load %arg4[%swap3A_49, %swap3A_50] : memref<512x1024xf32, #tpu.memory_space<vmem>>, vector<512x512xf32>
    tpu.vector_store %arg4[%swap3A_49, %swap3A_50], %add3A_48 {strides = array<i32>} : memref<512x1024xf32, #tpu.memory_space<vmem>>, vector<512x512xf32>,
    return
  }
  func.func @transform_0(%arg0: i32) -> (i32, i32) {
    %c0_i32 = arith.constant 0 : i32
    %c0_i32_0 = arith.constant 0 : i32
    %c0_i32_1 = arith.constant 0 : i32
    return %c0_i32, %c0_i32_0 : i32, i32
  }
  func.func @transform_1(%arg0: i32) -> (i32, i32) {
    %c0_i32 = arith.constant 0 : i32
    %c0_i32_0 = arith.constant 0 : i32
    return %arg0, %c0_i32 : i32, i32
  }
  func.func @transform_2(%arg0: i32) -> (i32, i32) {
    %c0_i32 = arith.constant 0 : i32
    %c0_i32_0 = arith.constant 0 : i32
    return %arg0, %c0_i32 : i32, i32
  }
  func.func @transform_3(%arg0: i32) -> (i32, i32) {
    %c0_i32 = arith.constant 0 : i32
    %c0_i32_0 = arith.constant 0 : i32
    return %arg0, %c0_i32 : i32, i32
  }
}

</mosaic_0001>

<sc_bundles>
// kernel: kernel.4.cloned.1.call-start
scs
__scs_entry_jumppad:
0x0: {  	(pc) =	sbr.rel $0x88, $3  }
0x1: {  	(tag) =	ssettag $0x0;
	lr =	simm.s32 $0x1  }
0x2: {  	[smem:$0x3F9E] =	sst lr;
	_ =	strace $0xD0000000  }
0x3: {  	_ = 	snop  }
0x4: {  	_ = 	snop  }
0x5: {  	_ = 	snop  }
0x6: {  	_ = 	snop  }
0x7: {  	_ = 	snop  }
__scs_overlays_trampoline_lowered:
0x8: {  	[smem:$0x3FAD] =	sst s0  }
0x9: {  	[smem:$0x3FAE] =	sst s1  }
0xa: {  	[smem:$0x3FAF] =	sst s2  }
0xb: {  	[smem:$0x3FB0] =	sst s3  }
0xc: {  	[smem:$0x3FB1] =	sst s4  }
0xd: {  	[smem:$0x3FB2] =	sst s5  }
0xe: {  	[smem:$0x3FB3] =	sst s6  }
0xf: {  	[smem:$0x3FB4] =	sst s7  }
0x10: {  	[smem:$0x3FB5] =	sst s8  }
0x11: {  	[smem:$0x3FB6] =	sst s9;
	s0 =	simm.s32 @!p0 $0x0  }
0x12: {  	s1 =	sld [smem:$0x3F9C];
	s0 =	simm.s32 @p0 $0x1  }
0x13: {  	[smem:$0x3FB7] =	sst s0;
	s0 =	simm.s32 @!p1 $0x0  }
0x14: {  	s2 =	sld [smem:$0x3F9B];
	s0 =	simm.s32 @p1 $0x1  }
0x15: {  	[smem:$0x3FB8] =	sst s0;
	s0 =	simm.s32 @!p2 $0x0  }
0x16: {  	s3 =	sld [smem:$0x3FDB];
	s0 =	simm.s32 @p2 $0x1  }
0x17: {  	s4 =	simm.s32 $0x1BF5;
	[smem:$0x3FBA] =	sst s0  }
0x18: {  	s0 =	sld [smem:$0x3F9D];
	_ =	swait.ge [sflag:s4], $0x0  }
0x19: {  	s7 =	sld [smem:$0x3F9E]  }
0x1a: {  	s8 =	sadd.s32 $0xFFFFE003, lr  }
0x1b: {  	s9 =	sadd.s32 $0xFFFFFEF7, lr;
	s5 =	simm.s32 $0xFFFFFFFF;
	p2 =	slt.u32 s8, $0xFFFFF086  }
0x1c: {  	p1 =	slt.u32 s9, $0xF7A;
	s5 =	simm.s32 @!p2 $0x0  }
0x1d: {  	s5 =	simm.s32 @p1 $0x1;
	p0 =	seq.s32 s7, s2  }
0x1e: {  	s7 =	smul.u32 @!p0 $0xF7A, s2;
	p2 =	seq.s32 @!p0 s5, $0x0  }
0x1f: {  	s9 =	smul.u32 $0xF7A, s1;
	s8 =	simm.s32 @!p0 $0x1BF5;
	p2 =	por !p2, p0  }
0x20: {  	[sflag:s8] =	ssyncset.s32 @!p0 $0xFFFFF086;
	s6 =	sadd.s32 @!p0 s3, s7;
	s7 =	simm.s32 @!p0 $0x108  }
0x21: {  	s3 =	sadd.s32 s3, s9;
	s6 =	sadd.s32 @!p0 $0x88, s6;
	s7 =	simm.s32 @p2 $0x1082  }
0x22: {  	[simem:s7], [sflag:s8] =	dma.local @!p0 [hbm:s6], $0xF7A  }
0x23: {  	s9 =	sor.u32 $0xD0000000, s2;
	s6 =	simm.s32 $0x108;
	_ =	swait.ge @!p0 [sflag:s8], $0x0  }
0x24: {  	s3 =	sadd.s32 $0x88, s3;
	s6 =	simm.s32 @!p1 $0x1082;
	[sflag:s4] =	ssyncset.s32 $0xFFFFF086  }
0x25: {  	[simem:s6], [sflag:s4] =	dma.local [hbm:s3], $0xF7A  }
0x26: {  	[smem:$0x3F9E] =	sst s1;
	(tag) =	ssettag s2;
	_ =	strace s9  }
0x27: {  	s1 =	sld [smem:$0x3FAE]  }
0x28: {  	s2 =	sld [smem:$0x3FAF]  }
0x29: {  	s4 =	sld [smem:$0x3FB1]  }
0x2a: {  	p0 =	seq.s32 s5, $0x0;
	s5 =	sld [smem:$0x3FB2]  }
0x2b: {  	s6 =	sld [smem:$0x3FB3]  }
0x2c: {  	s7 =	sld [smem:$0x3FB4]  }
0x2d: {  	s3 =	simm.s32 $0x108;
	s8 =	sld [smem:$0x3FB5]  }
0x2e: {  	s3 =	simm.s32 @!p0 $0x1082;
	s9 =	sld [smem:$0x3FB6]  }
0x2f: {  	lr =	sadd.s32 s0, s3;
	s0 =	sld [smem:$0x3FAD]  }
0x30: {  	s3 =	sld [smem:$0x3FB0]  }
0x31: {  	[smem:$0x3FB9] =	sst s10  }
0x32: {  	s10 =	sld [smem:$0x3FB7];
	_ =	sdelay $0x3  }
0x33: {  	p0 =	seq.s32 s10, $0x1;
	s10 =	sld [smem:$0x3FB9];
	_ =	sdelay $0x3  }
0x34: {  	[smem:$0x3FB9] =	sst s10  }
0x35: {  	s10 =	sld [smem:$0x3FB8];
	_ =	sdelay $0x3  }
0x36: {  	p1 =	seq.s32 s10, $0x1;
	s10 =	sld [smem:$0x3FB9];
	_ =	sdelay $0x3  }
0x37: {  	[smem:$0x3FB9] =	sst s10  }
0x38: {  	s10 =	sld [smem:$0x3FBA]  }
0x39: {  	_ = 	snop;
	(pc) =	sbr.ind lr, $3  }
0x3a: {  	_ = 	snop  }
0x3b: {  	_ = 	snop  }
0x3c: {  	p2 =	seq.s32 s10, $0x1;
	s10 =	sld [smem:$0x3FB9]  }
0x3d: {  	_ =	shalt  }
0x3e: {  	_ =	shalt  }
0x3f: {  	_ =	shalt  }
0x40: {  	_ =	shalt  }
0x41: {  	_ =	shalt  }
0x42: {  	_ =	shalt  }
0x43: {  	_ =	shalt  }
0x44: {  	_ =	shalt  }
0x45: {  	_ =	shalt  }
0x46: {  	_ =	shalt  }
0x47: {  	_ =	shalt  }
0x48: {  	_ =	shalt  }
0x49: {  	_ =	shalt  }
0x4a: {  	_ =	shalt  }
0x4b: {  	_ =	shalt  }
0x4c: {  	_ =	shalt  }
0x4d: {  	_ =	shalt  }
0x4e: {  	_ =	shalt  }
0x4f: {  	_ =	shalt  }
0x50: {  	_ =	shalt  }
0x51: {  	_ =	shalt  }
0x52: {  	_ =	shalt  }
0x53: {  	_ =	shalt  }
0x54: {  	_ =	shalt  }
0x55: {  	_ =	shalt  }
0x56: {  	_ =	shalt  }
0x57: {  	_ =	shalt  }
0x58: {  	_ =	shalt  }
0x59: {  	_ =	shalt  }
0x5a: {  	_ =	shalt  }
0x5b: {  	_ =	shalt  }
0x5c: {  	_ =	shalt  }
0x5d: {  	_ =	shalt  }
0x5e: {  	_ =	shalt  }
0x5f: {  	_ =	shalt  }
0x60: {  	_ =	shalt  }
0x61: {  	_ =	shalt  }
0x62: {  	_ =	shalt  }
0x63: {  	_ =	shalt  }
0x64: {  	_ =	shalt  }
0x65: {  	_ =	shalt  }
0x66: {  	_ =	shalt  }
0x67: {  	_ =	shalt  }
0x68: {  	_ =	shalt  }
0x69: {  	_ =	shalt  }
0x6a: {  	_ =	shalt  }
0x6b: {  	_ =	shalt  }
0x6c: {  	_ =	shalt  }
0x6d: {  	_ =	shalt  }
0x6e: {  	_ =	shalt  }
0x6f: {  	_ =	shalt  }
0x70: {  	_ =	shalt  }
0x71: {  	_ =	shalt  }
0x72: {  	_ =	shalt  }
0x73: {  	_ =	shalt  }
0x74: {  	_ =	shalt  }
0x75: {  	_ =	shalt  }
0x76: {  	_ =	shalt  }
0x77: {  	_ =	shalt  }
0x78: {  	_ =	shalt  }
0x79: {  	_ =	shalt  }
0x7a: {  	_ =	shalt  }
0x7b: {  	_ =	shalt  }
0x7c: {  	_ =	shalt  }
0x7d: {  	_ =	shalt  }
0x7e: {  	_ =	shalt  }
0x7f: {  	_ =	shalt  }
0x80: {  	_ =	shalt  }
0x81: {  	_ =	shalt  }
0x82: {  	_ =	shalt  }
0x83: {  	_ =	shalt  }
0x84: {  	_ =	shalt  }
0x85: {  	_ =	shalt  }
0x86: {  	_ =	shalt  }
0x87: {  	_ =	shalt  }
.Lfunc_end0:
.L_simem_size_0:
called_computation_lowered:
.L_overlay_start_0:
0x88: {  	s2 =	sld [smem:$0x3FD9]  }
0x89: {  	s3 =	sld [smem:$0x3FFE];
	_ =	sdelay $0x1  }
0x8a: {  	s1 =	srdreg.scid  }
0x8b: {  	s0 =	sand.u32 $0x1, s1  }
0x8c: {  	s17 =	sshll.u32 s0, $0xA;
	s2 =	sadd.s32 s3, s2  }
0x8d: {  	s2 =	sadd.s32 s2, s17  }
0x8e: {  	[smem:$0x3FC5] =	sst s2  }
0x8f: {  	_ = 	snop  }
0x90: {  	s2 =	sld [smem:$0x3FC7]  }
0x91: {  	s18 =	sld [smem:$0x3FD0];
	(tm) =	ssettm $0x1  }
0x92: {  	s4 =	sld [smem:$0x3FFB];
	_ =	sdelay $0x3  }
0x93: {  	_ =	strace s4  }
0x94: {  	s4 =	sld [smem:$0x3FFC];
	_ =	sdelay $0x3  }
0x95: {  	_ =	strace s4  }
0x96: {  	s4 =	sld [smem:$0x3FFD];
	_ =	sdelay $0x3  }
0x97: {  	_ =	strace s4  }
0x98: {  	_ =	strace $0x8FFFFFFF  }
0x99: {  	s19 =	sld [smem:$0x3FDB];
	_ =	sdelay $0x1  }
0x9a: {  	s5 =	simm.s32 $_scs_section_size  }
0x9b: {  	s6 =	simm.s32 $_size__tile_overlayer_lowered;
	s7 =	simm.s32 $_tile_overlayer_lowered  }
0x9c: {  	s22 =	simm.s32 $0x1BFF;
	s21 =	sshll.u32 s7, $0x1;
	s4 =	sadd.s32 s5, s19  }
0x9d: {  	s8 =	simm.s32 $0x0;
	s20 =	sshll.u32 s6, $0x1;
	s6 =	sadd.s32 s21, s4  }
0x9e: {  	[timem:s8], [sflag:s22] =	dma.local [hbm:s6], s20  }
0x9f: {  	_ =	swait.ge [sflag:s22], s20  }
0xa0: {  	s5 =	ssub.s32 $0x0, s20;
	[sflag:s22] =	ssyncset.done $0x0  }
0xa1: {  	[sflag:s22] =	ssyncadd.s32 s5;
	_ =	sdelay $0x1  }
0xa2: {  	s23 =	simm.s32 $0x1B8B  }
0xa3: {  	_ =	swait.ge [sflag:s23], $0x1  }
0xa4: {  	[sflag:s23] =	ssyncset.done $0x0  }
0xa5: {  	s25 =	simm.s32 $0x1B8E;
	s24 =	sld [smem:$0x3FFE];
	[sflag:s23] =	ssyncadd.s32 $0xFFFFFFFF  }
0xa6: {  	s26 =	simm.s32 $execute0_lowered;
	[smem:$0x3FD2] =	sst s25  }
0xa7: {  	s6 =	sshll.u32 s26, $0x1;
	_ =	strace $0x80000046;
	[dreg:$0x1] =	wrdreg $0xFFFFFFFF  }
0xa8: {  	s28 =	simm.s32 $_size_execute0_lowered;
	s4 =	sadd.s32 s4, s6;
	[dreg:$0x0] =	wrdreg $0x0  }
0xa9: {  	s6 =	sshll.u32 s28, $0x1;
	[dreg:$0x2] =	wrdreg s4  }
0xaa: {  	[dreg:$0x3] =	wrdreg s6  }
0xab: {  	[dreg:$0x4] =	wrdreg $0xC0  }
0xac: {  	_ =	task [dreg:s8], $0x5FFFF  }
0xad: {  	[dreg:$0x1] =	wrdreg $0xFFFFFFFF  }
0xae: {  	[dreg:$0x0] =	wrdreg $0x60  }
0xaf: {  	[dreg:$0x2] =	wrdreg s2  }
0xb0: {  	[dreg:$0x3] =	wrdreg s18  }
0xb1: {  	[dreg:$0x4] =	wrdreg s24  }
0xb2: {  	[dreg:$0x5] =	wrdreg $0x9  }
0xb3: {  	_ =	task.clear_ibuf [dreg:s8], $0x6FFFF;
	_ =	strace $0x90000046  }
0xb4: {  	s29 =	simm.s32 $0x9;
	_ =	strace $0x80000048  }
0xb5: {  	_ =	swait.ge [sflag:s29], $0x1  }
0xb6: {  	[sflag:s29] =	ssyncadd.s32 $0xFFFFFFFF  }
0xb7: {  	_ =	strace $0x90000048  }
0xb8: {  	_ =	sfence  }
0xb9: {  	s30 =	sld [smem:$0x0];
	_ =	sdelay $0x2  }
0xba: {  	s31 =	sshll.u32 s1, $0xD;
	s1 =	sshrl.u32 s1, $0x2  }
0xbb: {  	s3 =	sand.u32 $0x4000, s31;
	s1 =	sadd.s32 s1, s30  }
0xbc: {  	s0 =	sor.u32 s3, s0;
	s1 =	sshll.u32 s1, $0x11  }
0xbd: {  	s0 =	sor.u32 s1, s0  }
0xbe: {  	s0 =	sadd.s32 $0x8F2B, s0  }
0xbf: {  	[sflag:s0] =	ssyncadd.remote.s32 $0x1  }
0xc0: {  	_ =	sfence.sel $0xFFFF  }
0xc1: {  	[dreg:$0x0] =	wrdreg $0xFFFFFFFF;
	(pc) =	sbr.abs _section_cstart, $3  }
0xc2: {  	[dreg:$0x1] =	wrdreg $0xFFFFFFFF  }
0xc3: {  	_ =	task.clear_ibuf [dreg:s8], $0x2FFFF;
	_ =	strace $0x9FFFFFFF  }
0xc4: {  	(tm) =	ssettm $0x7FFFFFFF  }
0xc5: {  	_ =	shalt  }
tec
execute0_lowered:
.L_overlay_start_1:
0x0: {  	(tag) =	ssettag $0x1  }
0x1: {  	s0 =	srdreg.scid  }
0x2: {  	s1 =	rddreg [dreg:$0x0];
	s3 =	stileid.u32;
	s0 =	sand.u32 $0x1, s0  }
0x3: {  	s2 =	rddreg [dreg:$0x1];
	s5 =	sshll.u32 s3, $0xA;
	s6 =	sshll.u32 s0, $0x9  }
0x4: {  	s4 =	rddreg [dreg:$0x2];
	s5 =	sor.u32 s6, s5  }
0x5: {  	s3 =	simm.s32 $0x0;
	s6 =	sshll.u32 s5, $0x7;
	s5 =	sshrl.u32 s5, $0x3  }
0x6: {  	[smem:$0x7FF] =	sst s3;
	s7 =	sadd.s32 s6, s4;
	s2 =	sadd.s32 s2, s5  }
0x7: {  	_ =	strace $0x80000047;
	[dreg:$0x4] =	wrdreg s2;
	s12 =	sadd.s32 $0x800, s7  }
0x8: {  	s13 =	sadd.s32 $0x1800, s7;
	[dreg:$0x5] =	wrdreg s12  }
0x9: {  	s14 =	sadd.s32 $0x2800, s7;
	[dreg:$0x6] =	wrdreg s13  }
0xa: {  	s15 =	sadd.s32 $0x3800, s7;
	[dreg:$0x7] =	wrdreg s14  }
0xb: {  	s16 =	sadd.s32 $0x4800, s7;
	[dreg:$0x8] =	wrdreg s15  }
0xc: {  	s8 =	simm.s32 $0x1;
	s17 =	sadd.s32 $0x5800, s7;
	[dreg:$0x9] =	wrdreg s16  }
0xd: {  	s9 =	simm.s32 $0x2;
	s18 =	sadd.s32 $0x6800, s7;
	[dreg:$0xa] =	wrdreg s17  }
0xe: {  	s28 =	simm.s32 $0x5;
	s19 =	sadd.s32 $0x7800, s7;
	[dreg:$0xb] =	wrdreg s18  }
0xf: {  	s29 =	simm.s32 $0x6;
	s20 =	sadd.s32 $0x8800, s7;
	[dreg:$0xc] =	wrdreg s19  }
0x10: {  	s0 =	ssub.s32 $0x2, s0;
	s21 =	sadd.s32 $0x9800, s7;
	[dreg:$0xd] =	wrdreg s20  }
0x11: {  	s23 =	sshrl.u32 s0, $0x1;
	s22 =	sadd.s32 $0xA800, s7;
	[dreg:$0xe] =	wrdreg s21  }
0x12: {  	s0 =	ssub.s32 s0, s23;
	s24 =	sadd.s32 $0xB800, s7;
	[dreg:$0xf] =	wrdreg s22  }
0x13: {  	s4 =	sadd.s32 $0x100, s1;
	s25 =	sadd.s32 $0xC800, s7;
	[dreg:$0x10] =	wrdreg s24  }
0x14: {  	s5 =	sadd.s32 $0x200, s1;
	s26 =	sadd.s32 $0xD800, s7;
	[dreg:$0x11] =	wrdreg s25  }
0x15: {  	v2 =	vlaneseq.u32;
	s6 =	sadd.s32 $0x300, s1;
	s30 =	sadd.s32 $0xE800, s7;
	[dreg:$0x12] =	wrdreg s26  }
0x16: {  	vm0 =	vmmov $0xffff;
	v1 =	vshrl.u32 v2, $0x3;
	s31 =	sadd.s32 $0xF800, s7;
	s7 =	smax.u32 s0, $0x1;
	[dreg:$0x13] =	wrdreg s30  }
0x17: {  	v0 =	vand.u32 $0x7, v2;
	v2 =	vor.u32 $0x8, v2;
	v1 =	vmul.u32 $0x8, v1;
	s2 =	simm.s32 $0x4;
	s0 =	simm.s32 $0x3;
	[dreg:$0x14] =	wrdreg s31  }
.LBB2_1:
0x18: {  	[dreg:$0x15] =	wrdreg s7  }
0x19: {  	s30 =	rddreg [dreg:$0x4];
	s13 =	simm.s32 $0x7  }
0x1a: {  	[tilespmem:s3], [sflag:$0x7] =	stream.linear.gather [hbm4b:s30+s3], $0x200, $0x38;
	[tilespmem:$0x18200] =	vst v63  }
0x1b: {  	_ =	swait.ge [sflag:s13], $0x200  }
0x1c: {  	[sflag:s13] =	ssyncset.done $0x0  }
0x1d: {  	[sflag:s13] =	ssyncadd.s32 $0xFFFFFE00  }
0x1e: {  	v3 =	vld [tilespmem:$0x0];
	_ =	sdelay $0x4  }
0x1f: {  	v4 =	vshll.u32 v3, $0x3  }
0x20: {  	v3 =	vand.u32 $0x7, v3;
	v4 =	vand.u32 $0xFFFFFFC0, v4  }
0x21: {  	v3 =	vor.u32 v3, v4  }
0x22: {  	v4 =	vperm.xlane v3, v0;
	_ =	sdelay $0x1  }
0x23: {  	v4 =	vadd.s32 v1, v4;
	_ =	sdelay $0x3  }
0x24: {  	s14 =	simm.s32 $0x200  }
0x25: {  	[tilespmem:s14], [sflag:$0x1] =	stream.indirect_vreg.gather [hbm4b:s1+s3], $0x80, v4, vm0, $0xb8;
	[tilespmem:$0x18200] =	vst v63  }
0x26: {  	s10 =	simm.s32 $0xA00;
	v3 =	vperm.xlane v3, v2  }
0x27: {  	[tilespmem:s10], [sflag:$0x1] =	stream.indirect_vreg.gather [hbm4b:s4+s3], $0x80, v4, vm0, $0xb8;
	[tilespmem:$0x18200] =	vst v63  }
0x28: {  	s15 =	simm.s32 $0x1200;
	v3 =	vadd.s32 v1, v3  }
0x29: {  	[tilespmem:s15], [sflag:$0x1] =	stream.indirect_vreg.gather [hbm4b:s5+s3], $0x80, v4, vm0, $0xb8;
	[tilespmem:$0x18200] =	vst v63  }
0x2a: {  	s16 =	simm.s32 $0x1A00  }
0x2b: {  	[tilespmem:s16], [sflag:$0x1] =	stream.indirect_vreg.gather [hbm4b:s6+s3], $0x80, v4, vm0, $0xb8;
	[tilespmem:$0x18200] =	vst v63  }
0x2c: {  	s17 =	simm.s32 $0x2200  }
0x2d: {  	[tilespmem:s17], [sflag:$0x1] =	stream.indirect_vreg.gather [hbm4b:s1+s3], $0x80, v3, vm0, $0xb8;
	[tilespmem:$0x18200] =	vst v63  }
0x2e: {  	s18 =	simm.s32 $0x2A00  }
0x2f: {  	[tilespmem:s18], [sflag:$0x1] =	stream.indirect_vreg.gather [hbm4b:s4+s3], $0x80, v3, vm0, $0xb8;
	[tilespmem:$0x18200] =	vst v63  }
0x30: {  	s19 =	simm.s32 $0x3200  }
0x31: {  	[tilespmem:s19], [sflag:$0x1] =	stream.indirect_vreg.gather [hbm4b:s5+s3], $0x80, v3, vm0, $0xb8;
	[tilespmem:$0x18200] =	vst v63  }
0x32: {  	s20 =	simm.s32 $0x3A00  }
0x33: {  	[tilespmem:s20], [sflag:$0x1] =	stream.indirect_vreg.gather [hbm4b:s6+s3], $0x80, v3, vm0, $0xb8;
	[tilespmem:$0x18200] =	vst v63  }
0x34: {  	v3 =	vld [tilespmem:$0x10];
	_ =	sdelay $0x4  }
0x35: {  	v33 =	vshll.u32 v3, $0x3  }
0x36: {  	v3 =	vand.u32 $0x7, v3;
	v4 =	vand.u32 $0xFFFFFFC0, v33  }
0x37: {  	v3 =	vor.u32 v3, v4  }
0x38: {  	v4 =	vperm.xlane v3, v0;
	_ =	sdelay $0x1  }
0x39: {  	v4 =	vadd.s32 v1, v4;
	_ =	sdelay $0x3  }
0x3a: {  	s21 =	simm.s32 $0x4200  }
0x3b: {  	[tilespmem:s21], [sflag:$0x1] =	stream.indirect_vreg.gather [hbm4b:s1+s3], $0x80, v4, vm0, $0xb8;
	[tilespmem:$0x18200] =	vst v63  }
0x3c: {  	s22 =	simm.s32 $0x4A00;
	v3 =	vperm.xlane v3, v2  }
0x3d: {  	[tilespmem:s22], [sflag:$0x1] =	stream.indirect_vreg.gather [hbm4b:s4+s3], $0x80, v4, vm0, $0xb8;
	[tilespmem:$0x18200] =	vst v63  }
0x3e: {  	s23 =	simm.s32 $0x5200;
	v3 =	vadd.s32 v1, v3  }
0x3f: {  	[tilespmem:s23], [sflag:$0x1] =	stream.indirect_vreg.gather [hbm4b:s5+s3], $0x80, v4, vm0, $0xb8;
	[tilespmem:$0x18200] =	vst v63  }
0x40: {  	s24 =	simm.s32 $0x5A00  }
0x41: {  	[tilespmem:s24], [sflag:$0x1] =	stream.indirect_vreg.gather [hbm4b:s6+s3], $0x80, v4, vm0, $0xb8;
	[tilespmem:$0x18200] =	vst v63  }
0x42: {  	s25 =	simm.s32 $0x6200  }
0x43: {  	[tilespmem:s25], [sflag:$0x1] =	stream.indirect_vreg.gather [hbm4b:s1+s3], $0x80, v3, vm0, $0xb8;
	[tilespmem:$0x18200] =	vst v63  }
0x44: {  	s26 =	simm.s32 $0x6A00  }
0x45: {  	[tilespmem:s26], [sflag:$0x1] =	stream.indirect_vreg.gather [hbm4b:s4+s3], $0x80, v3, vm0, $0xb8;
	[tilespmem:$0x18200] =	vst v63  }
0x46: {  	s30 =	simm.s32 $0x7200  }
0x47: {  	[tilespmem:s30], [sflag:$0x1] =	stream.indirect_vreg.gather [hbm4b:s5+s3], $0x80, v3, vm0, $0xb8;
	[tilespmem:$0x18200] =	vst v63  }
0x48: {  	s31 =	simm.s32 $0x7A00  }
0x49: {  	[tilespmem:s31], [sflag:$0x1] =	stream.indirect_vreg.gather [hbm4b:s6+s3], $0x80, v3, vm0, $0xb8;
	[tilespmem:$0x18200] =	vst v63  }
0x4a: {  	v3 =	vld [tilespmem:$0x20];
	_ =	sdelay $0x4  }
0x4b: {  	v34 =	vshll.u32 v3, $0x3  }
0x4c: {  	v3 =	vand.u32 $0x7, v3;
	v4 =	vand.u32 $0xFFFFFFC0, v34  }
0x4d: {  	v3 =	vor.u32 v3, v4  }
0x4e: {  	v4 =	vperm.xlane v3, v0;
	_ =	sdelay $0x1  }
0x4f: {  	v4 =	vadd.s32 v1, v4;
	_ =	sdelay $0x3  }
0x50: {  	s7 =	simm.s32 $0x8200  }
0x51: {  	[tilespmem:s7], [sflag:$0x2] =	stream.indirect_vreg.gather [hbm4b:s1+s3], $0x80, v4, vm0, $0xb8;
	[tilespmem:$0x18200] =	vst v63  }
0x52: {  	s10 =	simm.s32 $0x8A00;
	v3 =	vperm.xlane v3, v2  }
0x53: {  	[tilespmem:s10], [sflag:$0x2] =	stream.indirect_vreg.gather [hbm4b:s4+s3], $0x80, v4, vm0, $0xb8;
	[tilespmem:$0x18200] =	vst v63  }
0x54: {  	s12 =	simm.s32 $0x9200;
	v3 =	vadd.s32 v1, v3  }
0x55: {  	[tilespmem:s12], [sflag:$0x2] =	stream.indirect_vreg.gather [hbm4b:s5+s3], $0x80, v4, vm0, $0xb8;
	[tilespmem:$0x18200] =	vst v63  }
0x56: {  	s13 =	simm.s32 $0x9A00  }
0x57: {  	[tilespmem:s13], [sflag:$0x2] =	stream.indirect_vreg.gather [hbm4b:s6+s3], $0x80, v4, vm0, $0xb8;
	[tilespmem:$0x18200] =	vst v63  }
0x58: {  	s14 =	simm.s32 $0xA200  }
0x59: {  	[tilespmem:s14], [sflag:$0x2] =	stream.indirect_vreg.gather [hbm4b:s1+s3], $0x80, v3, vm0, $0xb8;
	[tilespmem:$0x18200] =	vst v63  }
0x5a: {  	s18 =	simm.s32 $0xAA00  }
0x5b: {  	[tilespmem:s18], [sflag:$0x2] =	stream.indirect_vreg.gather [hbm4b:s4+s3], $0x80, v3, vm0, $0xb8;
	[tilespmem:$0x18200] =	vst v63  }
0x5c: {  	s19 =	simm.s32 $0xB200  }
0x5d: {  	[tilespmem:s19], [sflag:$0x2] =	stream.indirect_vreg.gather [hbm4b:s5+s3], $0x80, v3, vm0, $0xb8;
	[tilespmem:$0x18200] =	vst v63  }
0x5e: {  	s22 =	simm.s32 $0xBA00  }
0x5f: {  	[tilespmem:s22], [sflag:$0x2] =	stream.indirect_vreg.gather [hbm4b:s6+s3], $0x80, v3, vm0, $0xb8;
	[tilespmem:$0x18200] =	vst v63  }
0x60: {  	v3 =	vld [tilespmem:$0x30];
	_ =	sdelay $0x4  }
0x61: {  	v35 =	vshll.u32 v3, $0x3  }
0x62: {  	v3 =	vand.u32 $0x7, v3;
	v4 =	vand.u32 $0xFFFFFFC0, v35  }
0x63: {  	v3 =	vor.u32 v3, v4  }
0x64: {  	v4 =	vperm.xlane v3, v0;
	_ =	sdelay $0x1  }
0x65: {  	v4 =	vadd.s32 v1, v4;
	_ =	sdelay $0x3  }
0x66: {  	s23 =	simm.s32 $0xC200  }
0x67: {  	[tilespmem:s23], [sflag:$0x2] =	stream.indirect_vreg.gather [hbm4b:s1+s3], $0x80, v4, vm0, $0xb8;
	[tilespmem:$0x18200] =	vst v63  }
0x68: {  	s24 =	simm.s32 $0xCA00;
	v3 =	vperm.xlane v3, v2  }
0x69: {  	[tilespmem:s24], [sflag:$0x2] =	stream.indirect_vreg.gather [hbm4b:s4+s3], $0x80, v4, vm0, $0xb8;
	[tilespmem:$0x18200] =	vst v63  }
0x6a: {  	s25 =	simm.s32 $0xD200;
	v3 =	vadd.s32 v1, v3  }
0x6b: {  	[tilespmem:s25], [sflag:$0x2] =	stream.indirect_vreg.gather [hbm4b:s5+s3], $0x80, v4, vm0, $0xb8;
	[tilespmem:$0x18200] =	vst v63  }
0x6c: {  	s30 =	simm.s32 $0xDA00  }
0x6d: {  	[tilespmem:s30], [sflag:$0x2] =	stream.indirect_vreg.gather [hbm4b:s6+s3], $0x80, v4, vm0, $0xb8;
	[tilespmem:$0x18200] =	vst v63  }
0x6e: {  	s10 =	simm.s32 $0xE200  }
0x6f: {  	[tilespmem:s10], [sflag:$0x2] =	stream.indirect_vreg.gather [hbm4b:s1+s3], $0x80, v3, vm0, $0xb8;
	[tilespmem:$0x18200] =	vst v63  }
0x70: {  	s12 =	simm.s32 $0xEA00  }
0x71: {  	[tilespmem:s12], [sflag:$0x2] =	stream.indirect_vreg.gather [hbm4b:s4+s3], $0x80, v3, vm0, $0xb8;
	[tilespmem:$0x18200] =	vst v63  }
0x72: {  	s13 =	simm.s32 $0xF200  }
0x73: {  	[tilespmem:s13], [sflag:$0x2] =	stream.indirect_vreg.gather [hbm4b:s5+s3], $0x80, v3, vm0, $0xb8;
	[tilespmem:$0x18200] =	vst v63  }
0x74: {  	s14 =	simm.s32 $0xFA00  }
0x75: {  	[tilespmem:s14], [sflag:$0x2] =	stream.indirect_vreg.gather [hbm4b:s6+s3], $0x80, v3, vm0, $0xb8;
	[tilespmem:$0x18200] =	vst v63  }
0x76: {  	_ =	swait.ge [sflag:s8], $0x8000  }
0x77: {  	[sflag:s8] =	ssyncset.done $0x0  }
0x78: {  	[sflag:s8] =	ssyncadd.s32 $0xFFFF8000  }
0x79: {  	v3 =	vld [tilespmem:$0x40];
	_ =	sdelay $0x4  }
0x7a: {  	v36 =	vshll.u32 v3, $0x3  }
0x7b: {  	v3 =	vand.u32 $0x7, v3;
	v4 =	vand.u32 $0xFFFFFFC0, v36  }
0x7c: {  	v3 =	vor.u32 v3, v4  }
0x7d: {  	v4 =	vperm.xlane v3, v0;
	_ =	sdelay $0x1  }
0x7e: {  	v4 =	vadd.s32 v1, v4;
	_ =	sdelay $0x3  }
0x7f: {  	s18 =	simm.s32 $0x10200  }
0x80: {  	[tilespmem:s18], [sflag:$0x3] =	stream.indirect_vreg.gather [hbm4b:s1+s3], $0x80, v4, vm0, $0xb8;
	[tilespmem:$0x18200] =	vst v63  }
0x81: {  	s12 =	simm.s32 $0x10A00;
	v3 =	vperm.xlane v3, v2  }
0x82: {  	[tilespmem:s12], [sflag:$0x3] =	stream.indirect_vreg.gather [hbm4b:s4+s3], $0x80, v4, vm0, $0xb8;
	[tilespmem:$0x18200] =	vst v63  }
0x83: {  	s19 =	simm.s32 $0x11200;
	v3 =	vadd.s32 v1, v3  }
0x84: {  	[tilespmem:s19], [sflag:$0x3] =	stream.indirect_vreg.gather [hbm4b:s5+s3], $0x80, v4, vm0, $0xb8;
	[tilespmem:$0x18200] =	vst v63  }
0x85: {  	s25 =	simm.s32 $0x11A00  }
0x86: {  	[tilespmem:s25], [sflag:$0x3] =	stream.indirect_vreg.gather [hbm4b:s6+s3], $0x80, v4, vm0, $0xb8;
	[tilespmem:$0x18200] =	vst v63  }
0x87: {  	s30 =	simm.s32 $0x12200  }
0x88: {  	[tilespmem:s30], [sflag:$0x3] =	stream.indirect_vreg.gather [hbm4b:s1+s3], $0x80, v3, vm0, $0xb8;
	[tilespmem:$0x18200] =	vst v63  }
0x89: {  	s7 =	simm.s32 $0x12A00  }
0x8a: {  	[tilespmem:s7], [sflag:$0x3] =	stream.indirect_vreg.gather [hbm4b:s4+s3], $0x80, v3, vm0, $0xb8;
	[tilespmem:$0x18200] =	vst v63  }
0x8b: {  	s13 =	simm.s32 $0x13200  }
0x8c: {  	[tilespmem:s13], [sflag:$0x3] =	stream.indirect_vreg.gather [hbm4b:s5+s3], $0x80, v3, vm0, $0xb8;
	[tilespmem:$0x18200] =	vst v63  }
0x8d: {  	s14 =	simm.s32 $0x13A00  }
0x8e: {  	[tilespmem:s14], [sflag:$0x3] =	stream.indirect_vreg.gather [hbm4b:s6+s3], $0x80, v3, vm0, $0xb8;
	[tilespmem:$0x18200] =	vst v63  }
0x8f: {  	v3 =	vld [tilespmem:$0x50];
	_ =	sdelay $0x4  }
0x90: {  	v37 =	vshll.u32 v3, $0x3  }
0x91: {  	v3 =	vand.u32 $0x7, v3;
	v4 =	vand.u32 $0xFFFFFFC0, v37  }
0x92: {  	v3 =	vor.u32 v3, v4  }
0x93: {  	v4 =	vperm.xlane v3, v0;
	_ =	sdelay $0x1  }
0x94: {  	v4 =	vadd.s32 v1, v4;
	_ =	sdelay $0x3  }
0x95: {  	s18 =	simm.s32 $0x14200  }
0x96: {  	[tilespmem:s18], [sflag:$0x3] =	stream.indirect_vreg.gather [hbm4b:s1+s3], $0x80, v4, vm0, $0xb8;
	[tilespmem:$0x18200] =	vst v63  }
0x97: {  	s19 =	simm.s32 $0x14A00;
	v3 =	vperm.xlane v3, v2  }
0x98: {  	[tilespmem:s19], [sflag:$0x3] =	stream.indirect_vreg.gather [hbm4b:s4+s3], $0x80, v4, vm0, $0xb8;
	[tilespmem:$0x18200] =	vst v63  }
0x99: {  	s25 =	simm.s32 $0x15200;
	v3 =	vadd.s32 v1, v3  }
0x9a: {  	[tilespmem:s25], [sflag:$0x3] =	stream.indirect_vreg.gather [hbm4b:s5+s3], $0x80, v4, vm0, $0xb8;
	[tilespmem:$0x18200] =	vst v63  }
0x9b: {  	s30 =	simm.s32 $0x15A00  }
0x9c: {  	[tilespmem:s30], [sflag:$0x3] =	stream.indirect_vreg.gather [hbm4b:s6+s3], $0x80, v4, vm0, $0xb8;
	[tilespmem:$0x18200] =	vst v63  }
0x9d: {  	s7 =	simm.s32 $0x16200  }
0x9e: {  	[tilespmem:s7], [sflag:$0x3] =	stream.indirect_vreg.gather [hbm4b:s1+s3], $0x80, v3, vm0, $0xb8;
	[tilespmem:$0x18200] =	vst v63  }
0x9f: {  	s13 =	simm.s32 $0x16A00  }
0xa0: {  	[tilespmem:s13], [sflag:$0x3] =	stream.indirect_vreg.gather [hbm4b:s4+s3], $0x80, v3, vm0, $0xb8;
	[tilespmem:$0x18200] =	vst v63  }
0xa1: {  	s14 =	simm.s32 $0x17200  }
0xa2: {  	[tilespmem:s14], [sflag:$0x3] =	stream.indirect_vreg.gather [hbm4b:s5+s3], $0x80, v3, vm0, $0xb8;
	[tilespmem:$0x18200] =	vst v63  }
0xa3: {  	s19 =	simm.s32 $0x17A00  }
0xa4: {  	[tilespmem:s19], [sflag:$0x3] =	stream.indirect_vreg.gather [hbm4b:s6+s3], $0x80, v3, vm0, $0xb8;
	[tilespmem:$0x18200] =	vst v63  }
0xa5: {  	s18 =	rddreg [dreg:$0x5];
	s25 =	simm.s32 $0x200  }
0xa6: {  	[hbm4b:s18+s3] =	stream.linear.scatter [tilespmem:s25], [sflag:$0x4], $0x8000, $0x38;
	[tilespmem:$0x18200] =	vst v63  }
0xa7: {  	_ =	swait.ge [sflag:s9], $0x8000  }
0xa8: {  	[sflag:s9] =	ssyncset.done $0x0  }
0xa9: {  	[sflag:s9] =	ssyncadd.s32 $0xFFFF8000  }
0xaa: {  	_ =	swait.ge [sflag:s2], $0x8000  }
0xab: {  	[sflag:s2] =	ssyncset.done $0x0  }
0xac: {  	[sflag:s2] =	ssyncadd.s32 $0xFFFF8000  }
0xad: {  	v3 =	vld [tilespmem:$0x60];
	_ =	sdelay $0x4  }
0xae: {  	v38 =	vshll.u32 v3, $0x3  }
0xaf: {  	v3 =	vand.u32 $0x7, v3;
	v4 =	vand.u32 $0xFFFFFFC0, v38  }
0xb0: {  	v3 =	vor.u32 v3, v4  }
0xb1: {  	v4 =	vperm.xlane v3, v0;
	_ =	sdelay $0x1  }
0xb2: {  	v4 =	vadd.s32 v1, v4;
	_ =	sdelay $0x4  }
0xb3: {  	[tilespmem:s25], [sflag:$0x1] =	stream.indirect_vreg.gather [hbm4b:s1+s3], $0x80, v4, vm0, $0xb8;
	[tilespmem:$0x18200] =	vst v63  }
0xb4: {  	s11 =	simm.s32 $0xA00;
	v3 =	vperm.xlane v3, v2  }
0xb5: {  	[tilespmem:s11], [sflag:$0x1] =	stream.indirect_vreg.gather [hbm4b:s4+s3], $0x80, v4, vm0, $0xb8;
	[tilespmem:$0x18200] =	vst v63  }
0xb6: {  	v3 =	vadd.s32 v1, v3;
	s25 =	simm.s32 $0x1200  }
0xb7: {  	[tilespmem:s25], [sflag:$0x1] =	stream.indirect_vreg.gather [hbm4b:s5+s3], $0x80, v4, vm0, $0xb8;
	[tilespmem:$0x18200] =	vst v63  }
0xb8: {  	s11 =	simm.s32 $0x1A00  }
0xb9: {  	[tilespmem:s11], [sflag:$0x1] =	stream.indirect_vreg.gather [hbm4b:s6+s3], $0x80, v4, vm0, $0xb8;
	[tilespmem:$0x18200] =	vst v63  }
0xba: {  	s12 =	simm.s32 $0x2200  }
0xbb: {  	[tilespmem:s12], [sflag:$0x1] =	stream.indirect_vreg.gather [hbm4b:s1+s3], $0x80, v3, vm0, $0xb8;
	[tilespmem:$0x18200] =	vst v63  }
0xbc: {  	s13 =	simm.s32 $0x2A00  }
0xbd: {  	[tilespmem:s13], [sflag:$0x1] =	stream.indirect_vreg.gather [hbm4b:s4+s3], $0x80, v3, vm0, $0xb8;
	[tilespmem:$0x18200] =	vst v63  }
0xbe: {  	s14 =	simm.s32 $0x3200  }
0xbf: {  	[tilespmem:s14], [sflag:$0x1] =	stream.indirect_vreg.gather [hbm4b:s5+s3], $0x80, v3, vm0, $0xb8;
	[tilespmem:$0x18200] =	vst v63  }
0xc0: {  	s15 =	simm.s32 $0x3A00  }
0xc1: {  	[tilespmem:s15], [sflag:$0x1] =	stream.indirect_vreg.gather [hbm4b:s6+s3], $0x80, v3, vm0, $0xb8;
	[tilespmem:$0x18200] =	vst v63  }
0xc2: {  	v3 =	vld [tilespmem:$0x70];
	_ =	sdelay $0x4  }
0xc3: {  	v39 =	vshll.u32 v3, $0x3  }
0xc4: {  	v3 =	vand.u32 $0x7, v3;
	v4 =	vand.u32 $0xFFFFFFC0, v39  }
0xc5: {  	v3 =	vor.u32 v3, v4  }
0xc6: {  	v4 =	vperm.xlane v3, v0;
	_ =	sdelay $0x1  }
0xc7: {  	v4 =	vadd.s32 v1, v4;
	_ =	sdelay $0x3  }
0xc8: {  	s16 =	simm.s32 $0x4200  }
0xc9: {  	[tilespmem:s16], [sflag:$0x1] =	stream.indirect_vreg.gather [hbm4b:s1+s3], $0x80, v4, vm0, $0xb8;
	[tilespmem:$0x18200] =	vst v63  }
0xca: {  	s17 =	simm.s32 $0x4A00;
	v3 =	vperm.xlane v3, v2  }
0xcb: {  	[tilespmem:s17], [sflag:$0x1] =	stream.indirect_vreg.gather [hbm4b:s4+s3], $0x80, v4, vm0, $0xb8;
	[tilespmem:$0x18200] =	vst v63  }
0xcc: {  	s15 =	simm.s32 $0x5200;
	v3 =	vadd.s32 v1, v3  }
0xcd: {  	[tilespmem:s15], [sflag:$0x1] =	stream.indirect_vreg.gather [hbm4b:s5+s3], $0x80, v4, vm0, $0xb8;
	[tilespmem:$0x18200] =	vst v63  }
0xce: {  	s16 =	simm.s32 $0x5A00  }
0xcf: {  	[tilespmem:s16], [sflag:$0x1] =	stream.indirect_vreg.gather [hbm4b:s6+s3], $0x80, v4, vm0, $0xb8;
	[tilespmem:$0x18200] =	vst v63  }
0xd0: {  	s17 =	simm.s32 $0x6200  }
0xd1: {  	[tilespmem:s17], [sflag:$0x1] =	stream.indirect_vreg.gather [hbm4b:s1+s3], $0x80, v3, vm0, $0xb8;
	[tilespmem:$0x18200] =	vst v63  }
0xd2: {  	s18 =	simm.s32 $0x6A00  }
0xd3: {  	[tilespmem:s18], [sflag:$0x1] =	stream.indirect_vreg.gather [hbm4b:s4+s3], $0x80, v3, vm0, $0xb8;
	[tilespmem:$0x18200] =	vst v63  }
0xd4: {  	s19 =	simm.s32 $0x7200  }
0xd5: {  	[tilespmem:s19], [sflag:$0x1] =	stream.indirect_vreg.gather [hbm4b:s5+s3], $0x80, v3, vm0, $0xb8;
	[tilespmem:$0x18200] =	vst v63  }
0xd6: {  	s20 =	simm.s32 $0x7A00  }
0xd7: {  	[tilespmem:s20], [sflag:$0x1] =	stream.indirect_vreg.gather [hbm4b:s6+s3], $0x80, v3, vm0, $0xb8;
	[tilespmem:$0x18200] =	vst v63  }
0xd8: {  	s7 =	simm.s32 $0x8200;
	s30 =	rddreg [dreg:$0x6]  }
0xd9: {  	[hbm4b:s30+s3] =	stream.linear.scatter [tilespmem:s7], [sflag:$0x5], $0x8000, $0x38;
	[tilespmem:$0x18200] =	vst v63  }
0xda: {  	_ =	swait.ge [sflag:s0], $0x8000  }
0xdb: {  	[sflag:s0] =	ssyncset.done $0x0  }
0xdc: {  	[sflag:s0] =	ssyncadd.s32 $0xFFFF8000  }
0xdd: {  	_ =	swait.ge [sflag:s28], $0x8000  }
0xde: {  	[sflag:s28] =	ssyncset.done $0x0  }
0xdf: {  	[sflag:s28] =	ssyncadd.s32 $0xFFFF8000  }
0xe0: {  	v3 =	vld [tilespmem:$0x80];
	_ =	sdelay $0x4  }
0xe1: {  	v40 =	vshll.u32 v3, $0x3  }
0xe2: {  	v3 =	vand.u32 $0x7, v3;
	v4 =	vand.u32 $0xFFFFFFC0, v40  }
0xe3: {  	v3 =	vor.u32 v3, v4  }
0xe4: {  	v4 =	vperm.xlane v3, v0;
	_ =	sdelay $0x1  }
0xe5: {  	v4 =	vadd.s32 v1, v4;
	_ =	sdelay $0x4  }
0xe6: {  	[tilespmem:s7], [sflag:$0x2] =	stream.indirect_vreg.gather [hbm4b:s1+s3], $0x80, v4, vm0, $0xb8;
	[tilespmem:$0x18200] =	vst v63  }
0xe7: {  	s21 =	simm.s32 $0x8A00;
	v3 =	vperm.xlane v3, v2  }
0xe8: {  	[tilespmem:s21], [sflag:$0x2] =	stream.indirect_vreg.gather [hbm4b:s4+s3], $0x80, v4, vm0, $0xb8;
	[tilespmem:$0x18200] =	vst v63  }
0xe9: {  	s30 =	simm.s32 $0x9200;
	v3 =	vadd.s32 v1, v3  }
0xea: {  	[tilespmem:s30], [sflag:$0x2] =	stream.indirect_vreg.gather [hbm4b:s5+s3], $0x80, v4, vm0, $0xb8;
	[tilespmem:$0x18200] =	vst v63  }
0xeb: {  	s20 =	simm.s32 $0x9A00  }
0xec: {  	[tilespmem:s20], [sflag:$0x2] =	stream.indirect_vreg.gather [hbm4b:s6+s3], $0x80, v4, vm0, $0xb8;
	[tilespmem:$0x18200] =	vst v63  }
0xed: {  	s21 =	simm.s32 $0xA200  }
0xee: {  	[tilespmem:s21], [sflag:$0x2] =	stream.indirect_vreg.gather [hbm4b:s1+s3], $0x80, v3, vm0, $0xb8;
	[tilespmem:$0x18200] =	vst v63  }
0xef: {  	s30 =	simm.s32 $0xAA00  }
0xf0: {  	[tilespmem:s30], [sflag:$0x2] =	stream.indirect_vreg.gather [hbm4b:s4+s3], $0x80, v3, vm0, $0xb8;
	[tilespmem:$0x18200] =	vst v63  }
0xf1: {  	s26 =	simm.s32 $0xB200  }
0xf2: {  	[tilespmem:s26], [sflag:$0x2] =	stream.indirect_vreg.gather [hbm4b:s5+s3], $0x80, v3, vm0, $0xb8;
	[tilespmem:$0x18200] =	vst v63  }
0xf3: {  	s22 =	simm.s32 $0xBA00  }
0xf4: {  	[tilespmem:s22], [sflag:$0x2] =	stream.indirect_vreg.gather [hbm4b:s6+s3], $0x80, v3, vm0, $0xb8;
	[tilespmem:$0x18200] =	vst v63  }
0xf5: {  	v3 =	vld [tilespmem:$0x90];
	_ =	sdelay $0x4  }
0xf6: {  	v41 =	vshll.u32 v3, $0x3  }
0xf7: {  	v3 =	vand.u32 $0x7, v3;
	v4 =	vand.u32 $0xFFFFFFC0, v41  }
0xf8: {  	v3 =	vor.u32 v3, v4  }
0xf9: {  	v4 =	vperm.xlane v3, v0;
	_ =	sdelay $0x1  }
0xfa: {  	v4 =	vadd.s32 v1, v4;
	_ =	sdelay $0x3  }
0xfb: {  	s23 =	simm.s32 $0xC200  }
0xfc: {  	[tilespmem:s23], [sflag:$0x2] =	stream.indirect_vreg.gather [hbm4b:s1+s3], $0x80, v4, vm0, $0xb8;
	[tilespmem:$0x18200] =	vst v63  }
0xfd: {  	s24 =	simm.s32 $0xCA00;
	v3 =	vperm.xlane v3, v2  }
0xfe: {  	[tilespmem:s24], [sflag:$0x2] =	stream.indirect_vreg.gather [hbm4b:s4+s3], $0x80, v4, vm0, $0xb8;
	[tilespmem:$0x18200] =	vst v63  }
0xff: {  	s31 =	simm.s32 $0xD200;
	v3 =	vadd.s32 v1, v3  }
0x100: {  	[tilespmem:s31], [sflag:$0x2] =	stream.indirect_vreg.gather [hbm4b:s5+s3], $0x80, v4, vm0, $0xb8;
	[tilespmem:$0x18200] =	vst v63  }
0x101: {  	s20 =	simm.s32 $0xDA00  }
0x102: {  	[tilespmem:s20], [sflag:$0x2] =	stream.indirect_vreg.gather [hbm4b:s6+s3], $0x80, v4, vm0, $0xb8;
	[tilespmem:$0x18200] =	vst v63  }
0x103: {  	s21 =	simm.s32 $0xE200  }
0x104: {  	[tilespmem:s21], [sflag:$0x2] =	stream.indirect_vreg.gather [hbm4b:s1+s3], $0x80, v3, vm0, $0xb8;
	[tilespmem:$0x18200] =	vst v63  }
0x105: {  	s22 =	simm.s32 $0xEA00  }
0x106: {  	[tilespmem:s22], [sflag:$0x2] =	stream.indirect_vreg.gather [hbm4b:s4+s3], $0x80, v3, vm0, $0xb8;
	[tilespmem:$0x18200] =	vst v63  }
0x107: {  	s23 =	simm.s32 $0xF200  }
0x108: {  	[tilespmem:s23], [sflag:$0x2] =	stream.indirect_vreg.gather [hbm4b:s5+s3], $0x80, v3, vm0, $0xb8;
	[tilespmem:$0x18200] =	vst v63  }
0x109: {  	s26 =	simm.s32 $0xFA00  }
0x10a: {  	[tilespmem:s26], [sflag:$0x2] =	stream.indirect_vreg.gather [hbm4b:s6+s3], $0x80, v3, vm0, $0xb8;
	[tilespmem:$0x18200] =	vst v63  }
0x10b: {  	s10 =	simm.s32 $0x10200;
	s24 =	rddreg [dreg:$0x7]  }
0x10c: {  	[hbm4b:s24+s3] =	stream.linear.scatter [tilespmem:s10], [sflag:$0x6], $0x8000, $0x38;
	[tilespmem:$0x18200] =	vst v63  }
0x10d: {  	_ =	swait.ge [sflag:s8], $0x8000  }
0x10e: {  	[sflag:s8] =	ssyncset.done $0x0  }
0x10f: {  	[sflag:s8] =	ssyncadd.s32 $0xFFFF8000  }
0x110: {  	_ =	swait.ge [sflag:s29], $0x8000  }
0x111: {  	[sflag:s29] =	ssyncset.done $0x0  }
0x112: {  	[sflag:s29] =	ssyncadd.s32 $0xFFFF8000  }
0x113: {  	v3 =	vld [tilespmem:$0xA0];
	_ =	sdelay $0x4  }
0x114: {  	v42 =	vshll.u32 v3, $0x3  }
0x115: {  	v3 =	vand.u32 $0x7, v3;
	v4 =	vand.u32 $0xFFFFFFC0, v42  }
0x116: {  	v3 =	vor.u32 v3, v4  }
0x117: {  	v4 =	vperm.xlane v3, v0;
	_ =	sdelay $0x1  }
0x118: {  	v4 =	vadd.s32 v1, v4;
	_ =	sdelay $0x4  }
0x119: {  	[tilespmem:s10], [sflag:$0x3] =	stream.indirect_vreg.gather [hbm4b:s1+s3], $0x80, v4, vm0, $0xb8;
	[tilespmem:$0x18200] =	vst v63  }
0x11a: {  	s31 =	simm.s32 $0x10A00;
	v3 =	vperm.xlane v3, v2  }
0x11b: {  	[tilespmem:s31], [sflag:$0x3] =	stream.indirect_vreg.gather [hbm4b:s4+s3], $0x80, v4, vm0, $0xb8;
	[tilespmem:$0x18200] =	vst v63  }
0x11c: {  	s20 =	simm.s32 $0x11200;
	v3 =	vadd.s32 v1, v3  }
0x11d: {  	[tilespmem:s20], [sflag:$0x3] =	stream.indirect_vreg.gather [hbm4b:s5+s3], $0x80, v4, vm0, $0xb8;
	[tilespmem:$0x18200] =	vst v63  }
0x11e: {  	s21 =	simm.s32 $0x11A00  }
0x11f: {  	[tilespmem:s21], [sflag:$0x3] =	stream.indirect_vreg.gather [hbm4b:s6+s3], $0x80, v4, vm0, $0xb8;
	[tilespmem:$0x18200] =	vst v63  }
0x120: {  	s22 =	simm.s32 $0x12200  }
0x121: {  	[tilespmem:s22], [sflag:$0x3] =	stream.indirect_vreg.gather [hbm4b:s1+s3], $0x80, v3, vm0, $0xb8;
	[tilespmem:$0x18200] =	vst v63  }
0x122: {  	s23 =	simm.s32 $0x12A00  }
0x123: {  	[tilespmem:s23], [sflag:$0x3] =	stream.indirect_vreg.gather [hbm4b:s4+s3], $0x80, v3, vm0, $0xb8;
	[tilespmem:$0x18200] =	vst v63  }
0x124: {  	s24 =	simm.s32 $0x13200  }
0x125: {  	[tilespmem:s24], [sflag:$0x3] =	stream.indirect_vreg.gather [hbm4b:s5+s3], $0x80, v3, vm0, $0xb8;
	[tilespmem:$0x18200] =	vst v63  }
0x126: {  	s10 =	simm.s32 $0x13A00  }
0x127: {  	[tilespmem:s10], [sflag:$0x3] =	stream.indirect_vreg.gather [hbm4b:s6+s3], $0x80, v3, vm0, $0xb8;
	[tilespmem:$0x18200] =	vst v63  }
0x128: {  	v3 =	vld [tilespmem:$0xB0];
	_ =	sdelay $0x4  }
0x129: {  	v43 =	vshll.u32 v3, $0x3  }
0x12a: {  	v3 =	vand.u32 $0x7, v3;
	v4 =	vand.u32 $0xFFFFFFC0, v43  }
0x12b: {  	v3 =	vor.u32 v3, v4  }
0x12c: {  	v4 =	vperm.xlane v3, v0;
	_ =	sdelay $0x1  }
0x12d: {  	v4 =	vadd.s32 v1, v4;
	_ =	sdelay $0x3  }
0x12e: {  	s26 =	simm.s32 $0x14200  }
0x12f: {  	[tilespmem:s26], [sflag:$0x3] =	stream.indirect_vreg.gather [hbm4b:s1+s3], $0x80, v4, vm0, $0xb8;
	[tilespmem:$0x18200] =	vst v63  }
0x130: {  	s30 =	simm.s32 $0x14A00;
	v3 =	vperm.xlane v3, v2  }
0x131: {  	[tilespmem:s30], [sflag:$0x3] =	stream.indirect_vreg.gather [hbm4b:s4+s3], $0x80, v4, vm0, $0xb8;
	[tilespmem:$0x18200] =	vst v63  }
0x132: {  	v3 =	vadd.s32 v1, v3;
	s26 =	simm.s32 $0x15200  }
0x133: {  	[tilespmem:s26], [sflag:$0x3] =	stream.indirect_vreg.gather [hbm4b:s5+s3], $0x80, v4, vm0, $0xb8;
	[tilespmem:$0x18200] =	vst v63  }
0x134: {  	s31 =	simm.s32 $0x15A00  }
0x135: {  	[tilespmem:s31], [sflag:$0x3] =	stream.indirect_vreg.gather [hbm4b:s6+s3], $0x80, v4, vm0, $0xb8;
	[tilespmem:$0x18200] =	vst v63  }
0x136: {  	s10 =	simm.s32 $0x16200  }
0x137: {  	[tilespmem:s10], [sflag:$0x3] =	stream.indirect_vreg.gather [hbm4b:s1+s3], $0x80, v3, vm0, $0xb8;
	[tilespmem:$0x18200] =	vst v63  }
0x138: {  	s30 =	simm.s32 $0x16A00  }
0x139: {  	[tilespmem:s30], [sflag:$0x3] =	stream.indirect_vreg.gather [hbm4b:s4+s3], $0x80, v3, vm0, $0xb8;
	[tilespmem:$0x18200] =	vst v63  }
0x13a: {  	s31 =	simm.s32 $0x17200  }
0x13b: {  	[tilespmem:s31], [sflag:$0x3] =	stream.indirect_vreg.gather [hbm4b:s5+s3], $0x80, v3, vm0, $0xb8;
	[tilespmem:$0x18200] =	vst v63  }
0x13c: {  	s31 =	simm.s32 $0x17A00  }
0x13d: {  	[tilespmem:s31], [sflag:$0x3] =	stream.indirect_vreg.gather [hbm4b:s6+s3], $0x80, v3, vm0, $0xb8;
	[tilespmem:$0x18200] =	vst v63  }
0x13e: {  	s7 =	simm.s32 $0x200;
	s10 =	rddreg [dreg:$0x8]  }
0x13f: {  	[hbm4b:s10+s3] =	stream.linear.scatter [tilespmem:s7], [sflag:$0x4], $0x8000, $0x38;
	[tilespmem:$0x18200] =	vst v63  }
0x140: {  	_ =	swait.ge [sflag:s9], $0x8000  }
0x141: {  	[sflag:s9] =	ssyncset.done $0x0  }
0x142: {  	[sflag:s9] =	ssyncadd.s32 $0xFFFF8000  }
0x143: {  	_ =	swait.ge [sflag:s2], $0x8000  }
0x144: {  	[sflag:s2] =	ssyncset.done $0x0  }
0x145: {  	[sflag:s2] =	ssyncadd.s32 $0xFFFF8000  }
0x146: {  	v3 =	vld [tilespmem:$0xC0];
	_ =	sdelay $0x4  }
0x147: {  	v44 =	vshll.u32 v3, $0x3  }
0x148: {  	v3 =	vand.u32 $0x7, v3;
	v4 =	vand.u32 $0xFFFFFFC0, v44  }
0x149: {  	v3 =	vor.u32 v3, v4  }
0x14a: {  	v4 =	vperm.xlane v3, v0;
	_ =	sdelay $0x1  }
0x14b: {  	v4 =	vadd.s32 v1, v4;
	_ =	sdelay $0x4  }
0x14c: {  	[tilespmem:s7], [sflag:$0x1] =	stream.indirect_vreg.gather [hbm4b:s1+s3], $0x80, v4, vm0, $0xb8;
	[tilespmem:$0x18200] =	vst v63  }
0x14d: {  	s10 =	simm.s32 $0xA00;
	v3 =	vperm.xlane v3, v2  }
0x14e: {  	[tilespmem:s10], [sflag:$0x1] =	stream.indirect_vreg.gather [hbm4b:s4+s3], $0x80, v4, vm0, $0xb8;
	[tilespmem:$0x18200] =	vst v63  }
0x14f: {  	v3 =	vadd.s32 v1, v3  }
0x150: {  	[tilespmem:s25], [sflag:$0x1] =	stream.indirect_vreg.gather [hbm4b:s5+s3], $0x80, v4, vm0, $0xb8;
	[tilespmem:$0x18200] =	vst v63  }
0x151: {  	_ = 	snop  }
0x152: {  	[tilespmem:s11], [sflag:$0x1] =	stream.indirect_vreg.gather [hbm4b:s6+s3], $0x80, v4, vm0, $0xb8;
	[tilespmem:$0x18200] =	vst v63  }
0x153: {  	_ = 	snop  }
0x154: {  	[tilespmem:s12], [sflag:$0x1] =	stream.indirect_vreg.gather [hbm4b:s1+s3], $0x80, v3, vm0, $0xb8;
	[tilespmem:$0x18200] =	vst v63  }
0x155: {  	_ = 	snop  }
0x156: {  	[tilespmem:s13], [sflag:$0x1] =	stream.indirect_vreg.gather [hbm4b:s4+s3], $0x80, v3, vm0, $0xb8;
	[tilespmem:$0x18200] =	vst v63  }
0x157: {  	_ = 	snop  }
0x158: {  	[tilespmem:s14], [sflag:$0x1] =	stream.indirect_vreg.gather [hbm4b:s5+s3], $0x80, v3, vm0, $0xb8;
	[tilespmem:$0x18200] =	vst v63  }
0x159: {  	s11 =	simm.s32 $0x3A00  }
0x15a: {  	[tilespmem:s11], [sflag:$0x1] =	stream.indirect_vreg.gather [hbm4b:s6+s3], $0x80, v3, vm0, $0xb8;
	[tilespmem:$0x18200] =	vst v63  }
0x15b: {  	v3 =	vld [tilespmem:$0xD0];
	_ =	sdelay $0x4  }
0x15c: {  	v45 =	vshll.u32 v3, $0x3  }
0x15d: {  	v3 =	vand.u32 $0x7, v3;
	v4 =	vand.u32 $0xFFFFFFC0, v45  }
0x15e: {  	v3 =	vor.u32 v3, v4  }
0x15f: {  	v4 =	vperm.xlane v3, v0;
	_ =	sdelay $0x1  }
0x160: {  	v4 =	vadd.s32 v1, v4;
	_ =	sdelay $0x3  }
0x161: {  	s12 =	simm.s32 $0x4200  }
0x162: {  	[tilespmem:s12], [sflag:$0x1] =	stream.indirect_vreg.gather [hbm4b:s1+s3], $0x80, v4, vm0, $0xb8;
	[tilespmem:$0x18200] =	vst v63  }
0x163: {  	s13 =	simm.s32 $0x4A00;
	v3 =	vperm.xlane v3, v2  }
0x164: {  	[tilespmem:s13], [sflag:$0x1] =	stream.indirect_vreg.gather [hbm4b:s4+s3], $0x80, v4, vm0, $0xb8;
	[tilespmem:$0x18200] =	vst v63  }
0x165: {  	v3 =	vadd.s32 v1, v3  }
0x166: {  	[tilespmem:s15], [sflag:$0x1] =	stream.indirect_vreg.gather [hbm4b:s5+s3], $0x80, v4, vm0, $0xb8;
	[tilespmem:$0x18200] =	vst v63  }
0x167: {  	_ = 	snop  }
0x168: {  	[tilespmem:s16], [sflag:$0x1] =	stream.indirect_vreg.gather [hbm4b:s6+s3], $0x80, v4, vm0, $0xb8;
	[tilespmem:$0x18200] =	vst v63  }
0x169: {  	_ = 	snop  }
0x16a: {  	[tilespmem:s17], [sflag:$0x1] =	stream.indirect_vreg.gather [hbm4b:s1+s3], $0x80, v3, vm0, $0xb8;
	[tilespmem:$0x18200] =	vst v63  }
0x16b: {  	_ = 	snop  }
0x16c: {  	[tilespmem:s18], [sflag:$0x1] =	stream.indirect_vreg.gather [hbm4b:s4+s3], $0x80, v3, vm0, $0xb8;
	[tilespmem:$0x18200] =	vst v63  }
0x16d: {  	_ = 	snop  }
0x16e: {  	[tilespmem:s19], [sflag:$0x1] =	stream.indirect_vreg.gather [hbm4b:s5+s3], $0x80, v3, vm0, $0xb8;
	[tilespmem:$0x18200] =	vst v63  }
0x16f: {  	s19 =	simm.s32 $0x7A00  }
0x170: {  	[tilespmem:s19], [sflag:$0x1] =	stream.indirect_vreg.gather [hbm4b:s6+s3], $0x80, v3, vm0, $0xb8;
	[tilespmem:$0x18200] =	vst v63  }
0x171: {  	s25 =	simm.s32 $0x8200;
	s18 =	rddreg [dreg:$0x9]  }
0x172: {  	[hbm4b:s18+s3] =	stream.linear.scatter [tilespmem:s25], [sflag:$0x5], $0x8000, $0x38;
	[tilespmem:$0x18200] =	vst v63  }
0x173: {  	_ =	swait.ge [sflag:s0], $0x8000  }
0x174: {  	[sflag:s0] =	ssyncset.done $0x0  }
0x175: {  	[sflag:s0] =	ssyncadd.s32 $0xFFFF8000  }
0x176: {  	_ =	swait.ge [sflag:s28], $0x8000  }
0x177: {  	[sflag:s28] =	ssyncset.done $0x0  }
0x178: {  	[sflag:s28] =	ssyncadd.s32 $0xFFFF8000  }
0x179: {  	v3 =	vld [tilespmem:$0xE0];
	_ =	sdelay $0x4  }
0x17a: {  	v46 =	vshll.u32 v3, $0x3  }
0x17b: {  	v3 =	vand.u32 $0x7, v3;
	v4 =	vand.u32 $0xFFFFFFC0, v46  }
0x17c: {  	v3 =	vor.u32 v3, v4  }
0x17d: {  	v4 =	vperm.xlane v3, v0;
	_ =	sdelay $0x1  }
0x17e: {  	v4 =	vadd.s32 v1, v4;
	_ =	sdelay $0x4  }
0x17f: {  	[tilespmem:s25], [sflag:$0x2] =	stream.indirect_vreg.gather [hbm4b:s1+s3], $0x80, v4, vm0, $0xb8;
	[tilespmem:$0x18200] =	vst v63  }
0x180: {  	s31 =	simm.s32 $0x8A00;
	v3 =	vperm.xlane v3, v2  }
0x181: {  	[tilespmem:s31], [sflag:$0x2] =	stream.indirect_vreg.gather [hbm4b:s4+s3], $0x80, v4, vm0, $0xb8;
	[tilespmem:$0x18200] =	vst v63  }
0x182: {  	s10 =	simm.s32 $0x9200;
	v3 =	vadd.s32 v1, v3  }
0x183: {  	[tilespmem:s10], [sflag:$0x2] =	stream.indirect_vreg.gather [hbm4b:s5+s3], $0x80, v4, vm0, $0xb8;
	[tilespmem:$0x18200] =	vst v63  }
0x184: {  	s12 =	simm.s32 $0x9A00  }
0x185: {  	[tilespmem:s12], [sflag:$0x2] =	stream.indirect_vreg.gather [hbm4b:s6+s3], $0x80, v4, vm0, $0xb8;
	[tilespmem:$0x18200] =	vst v63  }
0x186: {  	s13 =	simm.s32 $0xA200  }
0x187: {  	[tilespmem:s13], [sflag:$0x2] =	stream.indirect_vreg.gather [hbm4b:s1+s3], $0x80, v3, vm0, $0xb8;
	[tilespmem:$0x18200] =	vst v63  }
0x188: {  	s25 =	simm.s32 $0xAA00  }
0x189: {  	[tilespmem:s25], [sflag:$0x2] =	stream.indirect_vreg.gather [hbm4b:s4+s3], $0x80, v3, vm0, $0xb8;
	[tilespmem:$0x18200] =	vst v63  }
0x18a: {  	s31 =	simm.s32 $0xB200  }
0x18b: {  	[tilespmem:s31], [sflag:$0x2] =	stream.indirect_vreg.gather [hbm4b:s5+s3], $0x80, v3, vm0, $0xb8;
	[tilespmem:$0x18200] =	vst v63  }
0x18c: {  	s15 =	simm.s32 $0xBA00  }
0x18d: {  	[tilespmem:s15], [sflag:$0x2] =	stream.indirect_vreg.gather [hbm4b:s6+s3], $0x80, v3, vm0, $0xb8;
	[tilespmem:$0x18200] =	vst v63  }
0x18e: {  	v3 =	vld [tilespmem:$0xF0];
	_ =	sdelay $0x4  }
0x18f: {  	v47 =	vshll.u32 v3, $0x3  }
0x190: {  	v3 =	vand.u32 $0x7, v3;
	v4 =	vand.u32 $0xFFFFFFC0, v47  }
0x191: {  	v3 =	vor.u32 v3, v4  }
0x192: {  	v4 =	vperm.xlane v3, v0;
	_ =	sdelay $0x1  }
0x193: {  	v4 =	vadd.s32 v1, v4;
	_ =	sdelay $0x3  }
0x194: {  	s17 =	simm.s32 $0xC200  }
0x195: {  	[tilespmem:s17], [sflag:$0x2] =	stream.indirect_vreg.gather [hbm4b:s1+s3], $0x80, v4, vm0, $0xb8;
	[tilespmem:$0x18200] =	vst v63  }
0x196: {  	s18 =	simm.s32 $0xCA00;
	v3 =	vperm.xlane v3, v2  }
0x197: {  	[tilespmem:s18], [sflag:$0x2] =	stream.indirect_vreg.gather [hbm4b:s4+s3], $0x80, v4, vm0, $0xb8;
	[tilespmem:$0x18200] =	vst v63  }
0x198: {  	s19 =	simm.s32 $0xD200;
	v3 =	vadd.s32 v1, v3  }
0x199: {  	[tilespmem:s19], [sflag:$0x2] =	stream.indirect_vreg.gather [hbm4b:s5+s3], $0x80, v4, vm0, $0xb8;
	[tilespmem:$0x18200] =	vst v63  }
0x19a: {  	s30 =	simm.s32 $0xDA00  }
0x19b: {  	[tilespmem:s30], [sflag:$0x2] =	stream.indirect_vreg.gather [hbm4b:s6+s3], $0x80, v4, vm0, $0xb8;
	[tilespmem:$0x18200] =	vst v63  }
0x19c: {  	s11 =	simm.s32 $0xE200  }
0x19d: {  	[tilespmem:s11], [sflag:$0x2] =	stream.indirect_vreg.gather [hbm4b:s1+s3], $0x80, v3, vm0, $0xb8;
	[tilespmem:$0x18200] =	vst v63  }
0x19e: {  	s12 =	simm.s32 $0xEA00  }
0x19f: {  	[tilespmem:s12], [sflag:$0x2] =	stream.indirect_vreg.gather [hbm4b:s4+s3], $0x80, v3, vm0, $0xb8;
	[tilespmem:$0x18200] =	vst v63  }
0x1a0: {  	s13 =	simm.s32 $0xF200  }
0x1a1: {  	[tilespmem:s13], [sflag:$0x2] =	stream.indirect_vreg.gather [hbm4b:s5+s3], $0x80, v3, vm0, $0xb8;
	[tilespmem:$0x18200] =	vst v63  }
0x1a2: {  	s17 =	simm.s32 $0xFA00  }
0x1a3: {  	[tilespmem:s17], [sflag:$0x2] =	stream.indirect_vreg.gather [hbm4b:s6+s3], $0x80, v3, vm0, $0xb8;
	[tilespmem:$0x18200] =	vst v63  }
0x1a4: {  	s15 =	rddreg [dreg:$0xa];
	s18 =	simm.s32 $0x10200  }
0x1a5: {  	[hbm4b:s15+s3] =	stream.linear.scatter [tilespmem:s18], [sflag:$0x6], $0x8000, $0x38;
	[tilespmem:$0x18200] =	vst v63  }
0x1a6: {  	_ =	swait.ge [sflag:s8], $0x8000  }
0x1a7: {  	[sflag:s8] =	ssyncset.done $0x0  }
0x1a8: {  	[sflag:s8] =	ssyncadd.s32 $0xFFFF8000  }
0x1a9: {  	_ =	swait.ge [sflag:s29], $0x8000  }
0x1aa: {  	[sflag:s29] =	ssyncset.done $0x0  }
0x1ab: {  	[sflag:s29] =	ssyncadd.s32 $0xFFFF8000  }
0x1ac: {  	v3 =	vld [tilespmem:$0x100];
	_ =	sdelay $0x4  }
0x1ad: {  	v48 =	vshll.u32 v3, $0x3  }
0x1ae: {  	v3 =	vand.u32 $0x7, v3;
	v4 =	vand.u32 $0xFFFFFFC0, v48  }
0x1af: {  	v3 =	vor.u32 v3, v4  }
0x1b0: {  	v4 =	vperm.xlane v3, v0;
	_ =	sdelay $0x1  }
0x1b1: {  	v4 =	vadd.s32 v1, v4;
	_ =	sdelay $0x4  }
0x1b2: {  	[tilespmem:s18], [sflag:$0x3] =	stream.indirect_vreg.gather [hbm4b:s1+s3], $0x80, v4, vm0, $0xb8;
	[tilespmem:$0x18200] =	vst v63  }
0x1b3: {  	s15 =	simm.s32 $0x10A00;
	v3 =	vperm.xlane v3, v2  }
0x1b4: {  	[tilespmem:s15], [sflag:$0x3] =	stream.indirect_vreg.gather [hbm4b:s4+s3], $0x80, v4, vm0, $0xb8;
	[tilespmem:$0x18200] =	vst v63  }
0x1b5: {  	v3 =	vadd.s32 v1, v3  }
0x1b6: {  	[tilespmem:s20], [sflag:$0x3] =	stream.indirect_vreg.gather [hbm4b:s5+s3], $0x80, v4, vm0, $0xb8;
	[tilespmem:$0x18200] =	vst v63  }
0x1b7: {  	_ = 	snop  }
0x1b8: {  	[tilespmem:s21], [sflag:$0x3] =	stream.indirect_vreg.gather [hbm4b:s6+s3], $0x80, v4, vm0, $0xb8;
	[tilespmem:$0x18200] =	vst v63  }
0x1b9: {  	_ = 	snop  }
0x1ba: {  	[tilespmem:s22], [sflag:$0x3] =	stream.indirect_vreg.gather [hbm4b:s1+s3], $0x80, v3, vm0, $0xb8;
	[tilespmem:$0x18200] =	vst v63  }
0x1bb: {  	_ = 	snop  }
0x1bc: {  	[tilespmem:s23], [sflag:$0x3] =	stream.indirect_vreg.gather [hbm4b:s4+s3], $0x80, v3, vm0, $0xb8;
	[tilespmem:$0x18200] =	vst v63  }
0x1bd: {  	_ = 	snop  }
0x1be: {  	[tilespmem:s24], [sflag:$0x3] =	stream.indirect_vreg.gather [hbm4b:s5+s3], $0x80, v3, vm0, $0xb8;
	[tilespmem:$0x18200] =	vst v63  }
0x1bf: {  	s12 =	simm.s32 $0x13A00  }
0x1c0: {  	[tilespmem:s12], [sflag:$0x3] =	stream.indirect_vreg.gather [hbm4b:s6+s3], $0x80, v3, vm0, $0xb8;
	[tilespmem:$0x18200] =	vst v63  }
0x1c1: {  	v3 =	vld [tilespmem:$0x110];
	_ =	sdelay $0x4  }
0x1c2: {  	v49 =	vshll.u32 v3, $0x3  }
0x1c3: {  	v3 =	vand.u32 $0x7, v3;
	v4 =	vand.u32 $0xFFFFFFC0, v49  }
0x1c4: {  	v3 =	vor.u32 v3, v4  }
0x1c5: {  	v4 =	vperm.xlane v3, v0;
	_ =	sdelay $0x1  }
0x1c6: {  	v4 =	vadd.s32 v1, v4;
	_ =	sdelay $0x3  }
0x1c7: {  	s17 =	simm.s32 $0x14200  }
0x1c8: {  	[tilespmem:s17], [sflag:$0x3] =	stream.indirect_vreg.gather [hbm4b:s1+s3], $0x80, v4, vm0, $0xb8;
	[tilespmem:$0x18200] =	vst v63  }
0x1c9: {  	s18 =	simm.s32 $0x14A00;
	v3 =	vperm.xlane v3, v2  }
0x1ca: {  	[tilespmem:s18], [sflag:$0x3] =	stream.indirect_vreg.gather [hbm4b:s4+s3], $0x80, v4, vm0, $0xb8;
	[tilespmem:$0x18200] =	vst v63  }
0x1cb: {  	v3 =	vadd.s32 v1, v3  }
0x1cc: {  	[tilespmem:s26], [sflag:$0x3] =	stream.indirect_vreg.gather [hbm4b:s5+s3], $0x80, v4, vm0, $0xb8;
	[tilespmem:$0x18200] =	vst v63  }
0x1cd: {  	s22 =	simm.s32 $0x15A00  }
0x1ce: {  	[tilespmem:s22], [sflag:$0x3] =	stream.indirect_vreg.gather [hbm4b:s6+s3], $0x80, v4, vm0, $0xb8;
	[tilespmem:$0x18200] =	vst v63  }
0x1cf: {  	s23 =	simm.s32 $0x16200  }
0x1d0: {  	[tilespmem:s23], [sflag:$0x3] =	stream.indirect_vreg.gather [hbm4b:s1+s3], $0x80, v3, vm0, $0xb8;
	[tilespmem:$0x18200] =	vst v63  }
0x1d1: {  	s13 =	simm.s32 $0x16A00  }
0x1d2: {  	[tilespmem:s13], [sflag:$0x3] =	stream.indirect_vreg.gather [hbm4b:s4+s3], $0x80, v3, vm0, $0xb8;
	[tilespmem:$0x18200] =	vst v63  }
0x1d3: {  	s19 =	simm.s32 $0x17200  }
0x1d4: {  	[tilespmem:s19], [sflag:$0x3] =	stream.indirect_vreg.gather [hbm4b:s5+s3], $0x80, v3, vm0, $0xb8;
	[tilespmem:$0x18200] =	vst v63  }
0x1d5: {  	s20 =	simm.s32 $0x17A00  }
0x1d6: {  	[tilespmem:s20], [sflag:$0x3] =	stream.indirect_vreg.gather [hbm4b:s6+s3], $0x80, v3, vm0, $0xb8;
	[tilespmem:$0x18200] =	vst v63  }
0x1d7: {  	s24 =	rddreg [dreg:$0xb];
	s26 =	simm.s32 $0x200  }
0x1d8: {  	[hbm4b:s24+s3] =	stream.linear.scatter [tilespmem:s26], [sflag:$0x4], $0x8000, $0x38;
	[tilespmem:$0x18200] =	vst v63  }
0x1d9: {  	_ =	swait.ge [sflag:s9], $0x8000  }
0x1da: {  	[sflag:s9] =	ssyncset.done $0x0  }
0x1db: {  	[sflag:s9] =	ssyncadd.s32 $0xFFFF8000  }
0x1dc: {  	_ =	swait.ge [sflag:s2], $0x8000  }
0x1dd: {  	[sflag:s2] =	ssyncset.done $0x0  }
0x1de: {  	[sflag:s2] =	ssyncadd.s32 $0xFFFF8000  }
0x1df: {  	v3 =	vld [tilespmem:$0x120];
	_ =	sdelay $0x4  }
0x1e0: {  	v50 =	vshll.u32 v3, $0x3  }
0x1e1: {  	v3 =	vand.u32 $0x7, v3;
	v4 =	vand.u32 $0xFFFFFFC0, v50  }
0x1e2: {  	v3 =	vor.u32 v3, v4  }
0x1e3: {  	v4 =	vperm.xlane v3, v0;
	_ =	sdelay $0x1  }
0x1e4: {  	v4 =	vadd.s32 v1, v4;
	_ =	sdelay $0x4  }
0x1e5: {  	[tilespmem:s26], [sflag:$0x1] =	stream.indirect_vreg.gather [hbm4b:s1+s3], $0x80, v4, vm0, $0xb8;
	[tilespmem:$0x18200] =	vst v63  }
0x1e6: {  	s24 =	simm.s32 $0xA00;
	v3 =	vperm.xlane v3, v2  }
0x1e7: {  	[tilespmem:s24], [sflag:$0x1] =	stream.indirect_vreg.gather [hbm4b:s4+s3], $0x80, v4, vm0, $0xb8;
	[tilespmem:$0x18200] =	vst v63  }
0x1e8: {  	s21 =	simm.s32 $0x1200;
	v3 =	vadd.s32 v1, v3  }
0x1e9: {  	[tilespmem:s21], [sflag:$0x1] =	stream.indirect_vreg.gather [hbm4b:s5+s3], $0x80, v4, vm0, $0xb8;
	[tilespmem:$0x18200] =	vst v63  }
0x1ea: {  	s22 =	simm.s32 $0x1A00  }
0x1eb: {  	[tilespmem:s22], [sflag:$0x1] =	stream.indirect_vreg.gather [hbm4b:s6+s3], $0x80, v4, vm0, $0xb8;
	[tilespmem:$0x18200] =	vst v63  }
0x1ec: {  	s30 =	simm.s32 $0x2200  }
0x1ed: {  	[tilespmem:s30], [sflag:$0x1] =	stream.indirect_vreg.gather [hbm4b:s1+s3], $0x80, v3, vm0, $0xb8;
	[tilespmem:$0x18200] =	vst v63  }
0x1ee: {  	s26 =	simm.s32 $0x2A00  }
0x1ef: {  	[tilespmem:s26], [sflag:$0x1] =	stream.indirect_vreg.gather [hbm4b:s4+s3], $0x80, v3, vm0, $0xb8;
	[tilespmem:$0x18200] =	vst v63  }
0x1f0: {  	s14 =	simm.s32 $0x3200  }
0x1f1: {  	[tilespmem:s14], [sflag:$0x1] =	stream.indirect_vreg.gather [hbm4b:s5+s3], $0x80, v3, vm0, $0xb8;
	[tilespmem:$0x18200] =	vst v63  }
0x1f2: {  	s30 =	simm.s32 $0x3A00  }
0x1f3: {  	[tilespmem:s30], [sflag:$0x1] =	stream.indirect_vreg.gather [hbm4b:s6+s3], $0x80, v3, vm0, $0xb8;
	[tilespmem:$0x18200] =	vst v63  }
0x1f4: {  	v3 =	vld [tilespmem:$0x130];
	_ =	sdelay $0x4  }
0x1f5: {  	v51 =	vshll.u32 v3, $0x3  }
0x1f6: {  	v3 =	vand.u32 $0x7, v3;
	v4 =	vand.u32 $0xFFFFFFC0, v51  }
0x1f7: {  	v3 =	vor.u32 v3, v4  }
0x1f8: {  	v4 =	vperm.xlane v3, v0;
	_ =	sdelay $0x1  }
0x1f9: {  	v4 =	vadd.s32 v1, v4;
	_ =	sdelay $0x3  }
0x1fa: {  	s23 =	simm.s32 $0x4200  }
0x1fb: {  	[tilespmem:s23], [sflag:$0x1] =	stream.indirect_vreg.gather [hbm4b:s1+s3], $0x80, v4, vm0, $0xb8;
	[tilespmem:$0x18200] =	vst v63  }
0x1fc: {  	s26 =	simm.s32 $0x4A00;
	v3 =	vperm.xlane v3, v2  }
0x1fd: {  	[tilespmem:s26], [sflag:$0x1] =	stream.indirect_vreg.gather [hbm4b:s4+s3], $0x80, v4, vm0, $0xb8;
	[tilespmem:$0x18200] =	vst v63  }
0x1fe: {  	v3 =	vadd.s32 v1, v3;
	s23 =	simm.s32 $0x5200  }
0x1ff: {  	[tilespmem:s23], [sflag:$0x1] =	stream.indirect_vreg.gather [hbm4b:s5+s3], $0x80, v4, vm0, $0xb8;
	[tilespmem:$0x18200] =	vst v63  }
0x200: {  	s16 =	simm.s32 $0x5A00  }
0x201: {  	[tilespmem:s16], [sflag:$0x1] =	stream.indirect_vreg.gather [hbm4b:s6+s3], $0x80, v4, vm0, $0xb8;
	[tilespmem:$0x18200] =	vst v63  }
0x202: {  	s14 =	simm.s32 $0x6200  }
0x203: {  	[tilespmem:s14], [sflag:$0x1] =	stream.indirect_vreg.gather [hbm4b:s1+s3], $0x80, v3, vm0, $0xb8;
	[tilespmem:$0x18200] =	vst v63  }
0x204: {  	s26 =	simm.s32 $0x6A00  }
0x205: {  	[tilespmem:s26], [sflag:$0x1] =	stream.indirect_vreg.gather [hbm4b:s4+s3], $0x80, v3, vm0, $0xb8;
	[tilespmem:$0x18200] =	vst v63  }
0x206: {  	s30 =	simm.s32 $0x7200  }
0x207: {  	[tilespmem:s30], [sflag:$0x1] =	stream.indirect_vreg.gather [hbm4b:s5+s3], $0x80, v3, vm0, $0xb8;
	[tilespmem:$0x18200] =	vst v63  }
0x208: {  	s16 =	simm.s32 $0x7A00  }
0x209: {  	[tilespmem:s16], [sflag:$0x1] =	stream.indirect_vreg.gather [hbm4b:s6+s3], $0x80, v3, vm0, $0xb8;
	[tilespmem:$0x18200] =	vst v63  }
0x20a: {  	s7 =	simm.s32 $0x8200;
	s30 =	rddreg [dreg:$0xc]  }
0x20b: {  	[hbm4b:s30+s3] =	stream.linear.scatter [tilespmem:s7], [sflag:$0x5], $0x8000, $0x38;
	[tilespmem:$0x18200] =	vst v63  }
0x20c: {  	_ =	swait.ge [sflag:s0], $0x8000  }
0x20d: {  	[sflag:s0] =	ssyncset.done $0x0  }
0x20e: {  	[sflag:s0] =	ssyncadd.s32 $0xFFFF8000  }
0x20f: {  	_ =	swait.ge [sflag:s28], $0x8000  }
0x210: {  	[sflag:s28] =	ssyncset.done $0x0  }
0x211: {  	[sflag:s28] =	ssyncadd.s32 $0xFFFF8000  }
0x212: {  	v3 =	vld [tilespmem:$0x140];
	_ =	sdelay $0x4  }
0x213: {  	v52 =	vshll.u32 v3, $0x3  }
0x214: {  	v3 =	vand.u32 $0x7, v3;
	v4 =	vand.u32 $0xFFFFFFC0, v52  }
0x215: {  	v3 =	vor.u32 v3, v4  }
0x216: {  	v4 =	vperm.xlane v3, v0;
	_ =	sdelay $0x1  }
0x217: {  	v4 =	vadd.s32 v1, v4;
	_ =	sdelay $0x4  }
0x218: {  	[tilespmem:s7], [sflag:$0x2] =	stream.indirect_vreg.gather [hbm4b:s1+s3], $0x80, v4, vm0, $0xb8;
	[tilespmem:$0x18200] =	vst v63  }
0x219: {  	s30 =	simm.s32 $0x8A00;
	v3 =	vperm.xlane v3, v2  }
0x21a: {  	[tilespmem:s30], [sflag:$0x2] =	stream.indirect_vreg.gather [hbm4b:s4+s3], $0x80, v4, vm0, $0xb8;
	[tilespmem:$0x18200] =	vst v63  }
0x21b: {  	v3 =	vadd.s32 v1, v3;
	s7 =	simm.s32 $0x9200  }
0x21c: {  	[tilespmem:s7], [sflag:$0x2] =	stream.indirect_vreg.gather [hbm4b:s5+s3], $0x80, v4, vm0, $0xb8;
	[tilespmem:$0x18200] =	vst v63  }
0x21d: {  	s7 =	simm.s32 $0x9A00  }
0x21e: {  	[tilespmem:s7], [sflag:$0x2] =	stream.indirect_vreg.gather [hbm4b:s6+s3], $0x80, v4, vm0, $0xb8;
	[tilespmem:$0x18200] =	vst v63  }
0x21f: {  	s7 =	simm.s32 $0xA200  }
0x220: {  	[tilespmem:s7], [sflag:$0x2] =	stream.indirect_vreg.gather [hbm4b:s1+s3], $0x80, v3, vm0, $0xb8;
	[tilespmem:$0x18200] =	vst v63  }
0x221: {  	_ = 	snop  }
0x222: {  	[tilespmem:s25], [sflag:$0x2] =	stream.indirect_vreg.gather [hbm4b:s4+s3], $0x80, v3, vm0, $0xb8;
	[tilespmem:$0x18200] =	vst v63  }
0x223: {  	_ = 	snop  }
0x224: {  	[tilespmem:s31], [sflag:$0x2] =	stream.indirect_vreg.gather [hbm4b:s5+s3], $0x80, v3, vm0, $0xb8;
	[tilespmem:$0x18200] =	vst v63  }
0x225: {  	s30 =	simm.s32 $0xBA00  }
0x226: {  	[tilespmem:s30], [sflag:$0x2] =	stream.indirect_vreg.gather [hbm4b:s6+s3], $0x80, v3, vm0, $0xb8;
	[tilespmem:$0x18200] =	vst v63  }
0x227: {  	v3 =	vld [tilespmem:$0x150];
	_ =	sdelay $0x4  }
0x228: {  	v53 =	vshll.u32 v3, $0x3  }
0x229: {  	v3 =	vand.u32 $0x7, v3;
	v4 =	vand.u32 $0xFFFFFFC0, v53  }
0x22a: {  	v3 =	vor.u32 v3, v4  }
0x22b: {  	v4 =	vperm.xlane v3, v0;
	_ =	sdelay $0x1  }
0x22c: {  	v4 =	vadd.s32 v1, v4;
	_ =	sdelay $0x3  }
0x22d: {  	s30 =	simm.s32 $0xC200  }
0x22e: {  	[tilespmem:s30], [sflag:$0x2] =	stream.indirect_vreg.gather [hbm4b:s1+s3], $0x80, v4, vm0, $0xb8;
	[tilespmem:$0x18200] =	vst v63  }
0x22f: {  	v3 =	vperm.xlane v3, v2;
	s30 =	simm.s32 $0xCA00  }
0x230: {  	[tilespmem:s30], [sflag:$0x2] =	stream.indirect_vreg.gather [hbm4b:s4+s3], $0x80, v4, vm0, $0xb8;
	[tilespmem:$0x18200] =	vst v63  }
0x231: {  	v3 =	vadd.s32 v1, v3;
	s30 =	simm.s32 $0xD200  }
0x232: {  	[tilespmem:s30], [sflag:$0x2] =	stream.indirect_vreg.gather [hbm4b:s5+s3], $0x80, v4, vm0, $0xb8;
	[tilespmem:$0x18200] =	vst v63  }
0x233: {  	s30 =	simm.s32 $0xDA00  }
0x234: {  	[tilespmem:s30], [sflag:$0x2] =	stream.indirect_vreg.gather [hbm4b:s6+s3], $0x80, v4, vm0, $0xb8;
	[tilespmem:$0x18200] =	vst v63  }
0x235: {  	s30 =	simm.s32 $0xE200  }
0x236: {  	[tilespmem:s30], [sflag:$0x2] =	stream.indirect_vreg.gather [hbm4b:s1+s3], $0x80, v3, vm0, $0xb8;
	[tilespmem:$0x18200] =	vst v63  }
0x237: {  	s30 =	simm.s32 $0xEA00  }
0x238: {  	[tilespmem:s30], [sflag:$0x2] =	stream.indirect_vreg.gather [hbm4b:s4+s3], $0x80, v3, vm0, $0xb8;
	[tilespmem:$0x18200] =	vst v63  }
0x239: {  	s30 =	simm.s32 $0xF200  }
0x23a: {  	[tilespmem:s30], [sflag:$0x2] =	stream.indirect_vreg.gather [hbm4b:s5+s3], $0x80, v3, vm0, $0xb8;
	[tilespmem:$0x18200] =	vst v63  }
0x23b: {  	s7 =	simm.s32 $0xFA00  }
0x23c: {  	[tilespmem:s7], [sflag:$0x2] =	stream.indirect_vreg.gather [hbm4b:s6+s3], $0x80, v3, vm0, $0xb8;
	[tilespmem:$0x18200] =	vst v63  }
0x23d: {  	s10 =	simm.s32 $0x10200;
	s30 =	rddreg [dreg:$0xd]  }
0x23e: {  	[hbm4b:s30+s3] =	stream.linear.scatter [tilespmem:s10], [sflag:$0x6], $0x8000, $0x38;
	[tilespmem:$0x18200] =	vst v63  }
0x23f: {  	_ =	swait.ge [sflag:s8], $0x8000  }
0x240: {  	[sflag:s8] =	ssyncset.done $0x0  }
0x241: {  	[sflag:s8] =	ssyncadd.s32 $0xFFFF8000  }
0x242: {  	_ =	swait.ge [sflag:s29], $0x8000  }
0x243: {  	[sflag:s29] =	ssyncset.done $0x0  }
0x244: {  	[sflag:s29] =	ssyncadd.s32 $0xFFFF8000  }
0x245: {  	v3 =	vld [tilespmem:$0x160];
	_ =	sdelay $0x4  }
0x246: {  	v54 =	vshll.u32 v3, $0x3  }
0x247: {  	v3 =	vand.u32 $0x7, v3;
	v4 =	vand.u32 $0xFFFFFFC0, v54  }
0x248: {  	v3 =	vor.u32 v3, v4  }
0x249: {  	v4 =	vperm.xlane v3, v0;
	_ =	sdelay $0x1  }
0x24a: {  	v4 =	vadd.s32 v1, v4;
	_ =	sdelay $0x4  }
0x24b: {  	[tilespmem:s10], [sflag:$0x3] =	stream.indirect_vreg.gather [hbm4b:s1+s3], $0x80, v4, vm0, $0xb8;
	[tilespmem:$0x18200] =	vst v63  }
0x24c: {  	v3 =	vperm.xlane v3, v2  }
0x24d: {  	[tilespmem:s15], [sflag:$0x3] =	stream.indirect_vreg.gather [hbm4b:s4+s3], $0x80, v4, vm0, $0xb8;
	[tilespmem:$0x18200] =	vst v63  }
0x24e: {  	v3 =	vadd.s32 v1, v3;
	s10 =	simm.s32 $0x11200  }
0x24f: {  	[tilespmem:s10], [sflag:$0x3] =	stream.indirect_vreg.gather [hbm4b:s5+s3], $0x80, v4, vm0, $0xb8;
	[tilespmem:$0x18200] =	vst v63  }
0x250: {  	s30 =	simm.s32 $0x11A00  }
0x251: {  	[tilespmem:s30], [sflag:$0x3] =	stream.indirect_vreg.gather [hbm4b:s6+s3], $0x80, v4, vm0, $0xb8;
	[tilespmem:$0x18200] =	vst v63  }
0x252: {  	s10 =	simm.s32 $0x12200  }
0x253: {  	[tilespmem:s10], [sflag:$0x3] =	stream.indirect_vreg.gather [hbm4b:s1+s3], $0x80, v3, vm0, $0xb8;
	[tilespmem:$0x18200] =	vst v63  }
0x254: {  	s30 =	simm.s32 $0x12A00  }
0x255: {  	[tilespmem:s30], [sflag:$0x3] =	stream.indirect_vreg.gather [hbm4b:s4+s3], $0x80, v3, vm0, $0xb8;
	[tilespmem:$0x18200] =	vst v63  }
0x256: {  	s10 =	simm.s32 $0x13200  }
0x257: {  	[tilespmem:s10], [sflag:$0x3] =	stream.indirect_vreg.gather [hbm4b:s5+s3], $0x80, v3, vm0, $0xb8;
	[tilespmem:$0x18200] =	vst v63  }
0x258: {  	_ = 	snop  }
0x259: {  	[tilespmem:s12], [sflag:$0x3] =	stream.indirect_vreg.gather [hbm4b:s6+s3], $0x80, v3, vm0, $0xb8;
	[tilespmem:$0x18200] =	vst v63  }
0x25a: {  	v3 =	vld [tilespmem:$0x170];
	_ =	sdelay $0x4  }
0x25b: {  	v55 =	vshll.u32 v3, $0x3  }
0x25c: {  	v3 =	vand.u32 $0x7, v3;
	v4 =	vand.u32 $0xFFFFFFC0, v55  }
0x25d: {  	v3 =	vor.u32 v3, v4  }
0x25e: {  	v4 =	vperm.xlane v3, v0;
	_ =	sdelay $0x1  }
0x25f: {  	v4 =	vadd.s32 v1, v4;
	_ =	sdelay $0x4  }
0x260: {  	[tilespmem:s17], [sflag:$0x3] =	stream.indirect_vreg.gather [hbm4b:s1+s3], $0x80, v4, vm0, $0xb8;
	[tilespmem:$0x18200] =	vst v63  }
0x261: {  	v3 =	vperm.xlane v3, v2  }
0x262: {  	[tilespmem:s18], [sflag:$0x3] =	stream.indirect_vreg.gather [hbm4b:s4+s3], $0x80, v4, vm0, $0xb8;
	[tilespmem:$0x18200] =	vst v63  }
0x263: {  	s12 =	simm.s32 $0x15200;
	v3 =	vadd.s32 v1, v3  }
0x264: {  	[tilespmem:s12], [sflag:$0x3] =	stream.indirect_vreg.gather [hbm4b:s5+s3], $0x80, v4, vm0, $0xb8;
	[tilespmem:$0x18200] =	vst v63  }
0x265: {  	s30 =	simm.s32 $0x15A00  }
0x266: {  	[tilespmem:s30], [sflag:$0x3] =	stream.indirect_vreg.gather [hbm4b:s6+s3], $0x80, v4, vm0, $0xb8;
	[tilespmem:$0x18200] =	vst v63  }
0x267: {  	s10 =	simm.s32 $0x16200  }
0x268: {  	[tilespmem:s10], [sflag:$0x3] =	stream.indirect_vreg.gather [hbm4b:s1+s3], $0x80, v3, vm0, $0xb8;
	[tilespmem:$0x18200] =	vst v63  }
0x269: {  	_ = 	snop  }
0x26a: {  	[tilespmem:s13], [sflag:$0x3] =	stream.indirect_vreg.gather [hbm4b:s4+s3], $0x80, v3, vm0, $0xb8;
	[tilespmem:$0x18200] =	vst v63  }
0x26b: {  	_ = 	snop  }
0x26c: {  	[tilespmem:s19], [sflag:$0x3] =	stream.indirect_vreg.gather [hbm4b:s5+s3], $0x80, v3, vm0, $0xb8;
	[tilespmem:$0x18200] =	vst v63  }
0x26d: {  	_ = 	snop  }
0x26e: {  	[tilespmem:s20], [sflag:$0x3] =	stream.indirect_vreg.gather [hbm4b:s6+s3], $0x80, v3, vm0, $0xb8;
	[tilespmem:$0x18200] =	vst v63  }
0x26f: {  	s11 =	simm.s32 $0x200;
	s12 =	rddreg [dreg:$0xe]  }
0x270: {  	[hbm4b:s12+s3] =	stream.linear.scatter [tilespmem:s11], [sflag:$0x4], $0x8000, $0x38;
	[tilespmem:$0x18200] =	vst v63  }
0x271: {  	_ =	swait.ge [sflag:s9], $0x8000  }
0x272: {  	[sflag:s9] =	ssyncset.done $0x0  }
0x273: {  	[sflag:s9] =	ssyncadd.s32 $0xFFFF8000  }
0x274: {  	_ =	swait.ge [sflag:s2], $0x8000  }
0x275: {  	[sflag:s2] =	ssyncset.done $0x0  }
0x276: {  	[sflag:s2] =	ssyncadd.s32 $0xFFFF8000  }
0x277: {  	v3 =	vld [tilespmem:$0x180];
	_ =	sdelay $0x4  }
0x278: {  	v56 =	vshll.u32 v3, $0x3  }
0x279: {  	v3 =	vand.u32 $0x7, v3;
	v4 =	vand.u32 $0xFFFFFFC0, v56  }
0x27a: {  	v3 =	vor.u32 v3, v4  }
0x27b: {  	v4 =	vperm.xlane v3, v0;
	_ =	sdelay $0x1  }
0x27c: {  	v4 =	vadd.s32 v1, v4;
	_ =	sdelay $0x4  }
0x27d: {  	[tilespmem:s11], [sflag:$0x1] =	stream.indirect_vreg.gather [hbm4b:s1+s3], $0x80, v4, vm0, $0xb8;
	[tilespmem:$0x18200] =	vst v63  }
0x27e: {  	v3 =	vperm.xlane v3, v2  }
0x27f: {  	[tilespmem:s24], [sflag:$0x1] =	stream.indirect_vreg.gather [hbm4b:s4+s3], $0x80, v4, vm0, $0xb8;
	[tilespmem:$0x18200] =	vst v63  }
0x280: {  	v3 =	vadd.s32 v1, v3  }
0x281: {  	[tilespmem:s21], [sflag:$0x1] =	stream.indirect_vreg.gather [hbm4b:s5+s3], $0x80, v4, vm0, $0xb8;
	[tilespmem:$0x18200] =	vst v63  }
0x282: {  	_ = 	snop  }
0x283: {  	[tilespmem:s22], [sflag:$0x1] =	stream.indirect_vreg.gather [hbm4b:s6+s3], $0x80, v4, vm0, $0xb8;
	[tilespmem:$0x18200] =	vst v63  }
0x284: {  	s13 =	simm.s32 $0x2200  }
0x285: {  	[tilespmem:s13], [sflag:$0x1] =	stream.indirect_vreg.gather [hbm4b:s1+s3], $0x80, v3, vm0, $0xb8;
	[tilespmem:$0x18200] =	vst v63  }
0x286: {  	s30 =	simm.s32 $0x2A00  }
0x287: {  	[tilespmem:s30], [sflag:$0x1] =	stream.indirect_vreg.gather [hbm4b:s4+s3], $0x80, v3, vm0, $0xb8;
	[tilespmem:$0x18200] =	vst v63  }
0x288: {  	s11 =	simm.s32 $0x3200  }
0x289: {  	[tilespmem:s11], [sflag:$0x1] =	stream.indirect_vreg.gather [hbm4b:s5+s3], $0x80, v3, vm0, $0xb8;
	[tilespmem:$0x18200] =	vst v63  }
0x28a: {  	s12 =	simm.s32 $0x3A00  }
0x28b: {  	[tilespmem:s12], [sflag:$0x1] =	stream.indirect_vreg.gather [hbm4b:s6+s3], $0x80, v3, vm0, $0xb8;
	[tilespmem:$0x18200] =	vst v63  }
0x28c: {  	v3 =	vld [tilespmem:$0x190];
	_ =	sdelay $0x4  }
0x28d: {  	v57 =	vshll.u32 v3, $0x3  }
0x28e: {  	v3 =	vand.u32 $0x7, v3;
	v4 =	vand.u32 $0xFFFFFFC0, v57  }
0x28f: {  	v3 =	vor.u32 v3, v4  }
0x290: {  	v4 =	vperm.xlane v3, v0;
	_ =	sdelay $0x1  }
0x291: {  	v4 =	vadd.s32 v1, v4;
	_ =	sdelay $0x3  }
0x292: {  	s13 =	simm.s32 $0x4200  }
0x293: {  	[tilespmem:s13], [sflag:$0x1] =	stream.indirect_vreg.gather [hbm4b:s1+s3], $0x80, v4, vm0, $0xb8;
	[tilespmem:$0x18200] =	vst v63  }
0x294: {  	s30 =	simm.s32 $0x4A00;
	v3 =	vperm.xlane v3, v2  }
0x295: {  	[tilespmem:s30], [sflag:$0x1] =	stream.indirect_vreg.gather [hbm4b:s4+s3], $0x80, v4, vm0, $0xb8;
	[tilespmem:$0x18200] =	vst v63  }
0x296: {  	v3 =	vadd.s32 v1, v3  }
0x297: {  	[tilespmem:s23], [sflag:$0x1] =	stream.indirect_vreg.gather [hbm4b:s5+s3], $0x80, v4, vm0, $0xb8;
	[tilespmem:$0x18200] =	vst v63  }
0x298: {  	s11 =	simm.s32 $0x5A00  }
0x299: {  	[tilespmem:s11], [sflag:$0x1] =	stream.indirect_vreg.gather [hbm4b:s6+s3], $0x80, v4, vm0, $0xb8;
	[tilespmem:$0x18200] =	vst v63  }
0x29a: {  	_ = 	snop  }
0x29b: {  	[tilespmem:s14], [sflag:$0x1] =	stream.indirect_vreg.gather [hbm4b:s1+s3], $0x80, v3, vm0, $0xb8;
	[tilespmem:$0x18200] =	vst v63  }
0x29c: {  	_ = 	snop  }
0x29d: {  	[tilespmem:s26], [sflag:$0x1] =	stream.indirect_vreg.gather [hbm4b:s4+s3], $0x80, v3, vm0, $0xb8;
	[tilespmem:$0x18200] =	vst v63  }
0x29e: {  	s30 =	simm.s32 $0x7200  }
0x29f: {  	[tilespmem:s30], [sflag:$0x1] =	stream.indirect_vreg.gather [hbm4b:s5+s3], $0x80, v3, vm0, $0xb8;
	[tilespmem:$0x18200] =	vst v63  }
0x2a0: {  	_ = 	snop  }
0x2a1: {  	[tilespmem:s16], [sflag:$0x1] =	stream.indirect_vreg.gather [hbm4b:s6+s3], $0x80, v3, vm0, $0xb8;
	[tilespmem:$0x18200] =	vst v63  }
0x2a2: {  	s14 =	simm.s32 $0x8200;
	s30 =	rddreg [dreg:$0xf]  }
0x2a3: {  	[hbm4b:s30+s3] =	stream.linear.scatter [tilespmem:s14], [sflag:$0x5], $0x8000, $0x38;
	[tilespmem:$0x18200] =	vst v63  }
0x2a4: {  	_ =	swait.ge [sflag:s0], $0x8000  }
0x2a5: {  	[sflag:s0] =	ssyncset.done $0x0  }
0x2a6: {  	[sflag:s0] =	ssyncadd.s32 $0xFFFF8000  }
0x2a7: {  	_ =	swait.ge [sflag:s28], $0x8000  }
0x2a8: {  	[sflag:s28] =	ssyncset.done $0x0  }
0x2a9: {  	[sflag:s28] =	ssyncadd.s32 $0xFFFF8000  }
0x2aa: {  	v3 =	vld [tilespmem:$0x1A0];
	_ =	sdelay $0x4  }
0x2ab: {  	v58 =	vshll.u32 v3, $0x3  }
0x2ac: {  	v3 =	vand.u32 $0x7, v3;
	v4 =	vand.u32 $0xFFFFFFC0, v58  }
0x2ad: {  	v3 =	vor.u32 v3, v4  }
0x2ae: {  	v4 =	vperm.xlane v3, v0;
	_ =	sdelay $0x1  }
0x2af: {  	v4 =	vadd.s32 v1, v4;
	_ =	sdelay $0x4  }
0x2b0: {  	[tilespmem:s14], [sflag:$0x2] =	stream.indirect_vreg.gather [hbm4b:s1+s3], $0x80, v4, vm0, $0xb8;
	[tilespmem:$0x18200] =	vst v63  }
0x2b1: {  	s30 =	simm.s32 $0x8A00;
	v3 =	vperm.xlane v3, v2  }
0x2b2: {  	[tilespmem:s30], [sflag:$0x2] =	stream.indirect_vreg.gather [hbm4b:s4+s3], $0x80, v4, vm0, $0xb8;
	[tilespmem:$0x18200] =	vst v63  }
0x2b3: {  	v3 =	vadd.s32 v1, v3;
	s30 =	simm.s32 $0x9200  }
0x2b4: {  	[tilespmem:s30], [sflag:$0x2] =	stream.indirect_vreg.gather [hbm4b:s5+s3], $0x80, v4, vm0, $0xb8;
	[tilespmem:$0x18200] =	vst v63  }
0x2b5: {  	s30 =	simm.s32 $0x9A00  }
0x2b6: {  	[tilespmem:s30], [sflag:$0x2] =	stream.indirect_vreg.gather [hbm4b:s6+s3], $0x80, v4, vm0, $0xb8;
	[tilespmem:$0x18200] =	vst v63  }
0x2b7: {  	s30 =	simm.s32 $0xA200  }
0x2b8: {  	[tilespmem:s30], [sflag:$0x2] =	stream.indirect_vreg.gather [hbm4b:s1+s3], $0x80, v3, vm0, $0xb8;
	[tilespmem:$0x18200] =	vst v63  }
0x2b9: {  	s25 =	simm.s32 $0xAA00  }
0x2ba: {  	[tilespmem:s25], [sflag:$0x2] =	stream.indirect_vreg.gather [hbm4b:s4+s3], $0x80, v3, vm0, $0xb8;
	[tilespmem:$0x18200] =	vst v63  }
0x2bb: {  	s31 =	simm.s32 $0xB200  }
0x2bc: {  	[tilespmem:s31], [sflag:$0x2] =	stream.indirect_vreg.gather [hbm4b:s5+s3], $0x80, v3, vm0, $0xb8;
	[tilespmem:$0x18200] =	vst v63  }
0x2bd: {  	s30 =	simm.s32 $0xBA00  }
0x2be: {  	[tilespmem:s30], [sflag:$0x2] =	stream.indirect_vreg.gather [hbm4b:s6+s3], $0x80, v3, vm0, $0xb8;
	[tilespmem:$0x18200] =	vst v63  }
0x2bf: {  	v3 =	vld [tilespmem:$0x1B0];
	_ =	sdelay $0x4  }
0x2c0: {  	v59 =	vshll.u32 v3, $0x3  }
0x2c1: {  	v3 =	vand.u32 $0x7, v3;
	v4 =	vand.u32 $0xFFFFFFC0, v59  }
0x2c2: {  	v3 =	vor.u32 v3, v4  }
0x2c3: {  	v4 =	vperm.xlane v3, v0;
	_ =	sdelay $0x1  }
0x2c4: {  	v4 =	vadd.s32 v1, v4;
	_ =	sdelay $0x3  }
0x2c5: {  	s31 =	simm.s32 $0xC200  }
0x2c6: {  	[tilespmem:s31], [sflag:$0x2] =	stream.indirect_vreg.gather [hbm4b:s1+s3], $0x80, v4, vm0, $0xb8;
	[tilespmem:$0x18200] =	vst v63  }
0x2c7: {  	s25 =	simm.s32 $0xCA00;
	v3 =	vperm.xlane v3, v2  }
0x2c8: {  	[tilespmem:s25], [sflag:$0x2] =	stream.indirect_vreg.gather [hbm4b:s4+s3], $0x80, v4, vm0, $0xb8;
	[tilespmem:$0x18200] =	vst v63  }
0x2c9: {  	s30 =	simm.s32 $0xD200;
	v3 =	vadd.s32 v1, v3  }
0x2ca: {  	[tilespmem:s30], [sflag:$0x2] =	stream.indirect_vreg.gather [hbm4b:s5+s3], $0x80, v4, vm0, $0xb8;
	[tilespmem:$0x18200] =	vst v63  }
0x2cb: {  	s31 =	simm.s32 $0xDA00  }
0x2cc: {  	[tilespmem:s31], [sflag:$0x2] =	stream.indirect_vreg.gather [hbm4b:s6+s3], $0x80, v4, vm0, $0xb8;
	[tilespmem:$0x18200] =	vst v63  }
0x2cd: {  	s25 =	simm.s32 $0xE200  }
0x2ce: {  	[tilespmem:s25], [sflag:$0x2] =	stream.indirect_vreg.gather [hbm4b:s1+s3], $0x80, v3, vm0, $0xb8;
	[tilespmem:$0x18200] =	vst v63  }
0x2cf: {  	s30 =	simm.s32 $0xEA00  }
0x2d0: {  	[tilespmem:s30], [sflag:$0x2] =	stream.indirect_vreg.gather [hbm4b:s4+s3], $0x80, v3, vm0, $0xb8;
	[tilespmem:$0x18200] =	vst v63  }
0x2d1: {  	s31 =	simm.s32 $0xF200  }
0x2d2: {  	[tilespmem:s31], [sflag:$0x2] =	stream.indirect_vreg.gather [hbm4b:s5+s3], $0x80, v3, vm0, $0xb8;
	[tilespmem:$0x18200] =	vst v63  }
0x2d3: {  	s31 =	simm.s32 $0xFA00  }
0x2d4: {  	[tilespmem:s31], [sflag:$0x2] =	stream.indirect_vreg.gather [hbm4b:s6+s3], $0x80, v3, vm0, $0xb8;
	[tilespmem:$0x18200] =	vst v63  }
0x2d5: {  	s14 =	simm.s32 $0x10200;
	s25 =	rddreg [dreg:$0x10]  }
0x2d6: {  	[hbm4b:s25+s3] =	stream.linear.scatter [tilespmem:s14], [sflag:$0x6], $0x8000, $0x38;
	[tilespmem:$0x18200] =	vst v63  }
0x2d7: {  	_ =	swait.ge [sflag:s8], $0x8000  }
0x2d8: {  	[sflag:s8] =	ssyncset.done $0x0  }
0x2d9: {  	[sflag:s8] =	ssyncadd.s32 $0xFFFF8000  }
0x2da: {  	_ =	swait.ge [sflag:s29], $0x8000  }
0x2db: {  	[sflag:s29] =	ssyncset.done $0x0  }
0x2dc: {  	[sflag:s29] =	ssyncadd.s32 $0xFFFF8000  }
0x2dd: {  	v3 =	vld [tilespmem:$0x1C0];
	_ =	sdelay $0x4  }
0x2de: {  	v60 =	vshll.u32 v3, $0x3  }
0x2df: {  	v3 =	vand.u32 $0x7, v3;
	v4 =	vand.u32 $0xFFFFFFC0, v60  }
0x2e0: {  	v3 =	vor.u32 v3, v4  }
0x2e1: {  	v4 =	vperm.xlane v3, v0;
	_ =	sdelay $0x1  }
0x2e2: {  	v4 =	vadd.s32 v1, v4;
	_ =	sdelay $0x4  }
0x2e3: {  	[tilespmem:s14], [sflag:$0x3] =	stream.indirect_vreg.gather [hbm4b:s1+s3], $0x80, v4, vm0, $0xb8;
	[tilespmem:$0x18200] =	vst v63  }
0x2e4: {  	s15 =	simm.s32 $0x10A00;
	v3 =	vperm.xlane v3, v2  }
0x2e5: {  	[tilespmem:s15], [sflag:$0x3] =	stream.indirect_vreg.gather [hbm4b:s4+s3], $0x80, v4, vm0, $0xb8;
	[tilespmem:$0x18200] =	vst v63  }
0x2e6: {  	s30 =	simm.s32 $0x11200;
	v3 =	vadd.s32 v1, v3  }
0x2e7: {  	[tilespmem:s30], [sflag:$0x3] =	stream.indirect_vreg.gather [hbm4b:s5+s3], $0x80, v4, vm0, $0xb8;
	[tilespmem:$0x18200] =	vst v63  }
0x2e8: {  	s31 =	simm.s32 $0x11A00  }
0x2e9: {  	[tilespmem:s31], [sflag:$0x3] =	stream.indirect_vreg.gather [hbm4b:s6+s3], $0x80, v4, vm0, $0xb8;
	[tilespmem:$0x18200] =	vst v63  }
0x2ea: {  	s15 =	simm.s32 $0x12200  }
0x2eb: {  	[tilespmem:s15], [sflag:$0x3] =	stream.indirect_vreg.gather [hbm4b:s1+s3], $0x80, v3, vm0, $0xb8;
	[tilespmem:$0x18200] =	vst v63  }
0x2ec: {  	s30 =	simm.s32 $0x12A00  }
0x2ed: {  	[tilespmem:s30], [sflag:$0x3] =	stream.indirect_vreg.gather [hbm4b:s4+s3], $0x80, v3, vm0, $0xb8;
	[tilespmem:$0x18200] =	vst v63  }
0x2ee: {  	s31 =	simm.s32 $0x13200  }
0x2ef: {  	[tilespmem:s31], [sflag:$0x3] =	stream.indirect_vreg.gather [hbm4b:s5+s3], $0x80, v3, vm0, $0xb8;
	[tilespmem:$0x18200] =	vst v63  }
0x2f0: {  	s15 =	simm.s32 $0x13A00  }
0x2f1: {  	[tilespmem:s15], [sflag:$0x3] =	stream.indirect_vreg.gather [hbm4b:s6+s3], $0x80, v3, vm0, $0xb8;
	[tilespmem:$0x18200] =	vst v63  }
0x2f2: {  	v3 =	vld [tilespmem:$0x1D0];
	_ =	sdelay $0x4  }
0x2f3: {  	v61 =	vshll.u32 v3, $0x3  }
0x2f4: {  	v3 =	vand.u32 $0x7, v3;
	v4 =	vand.u32 $0xFFFFFFC0, v61  }
0x2f5: {  	v3 =	vor.u32 v3, v4  }
0x2f6: {  	v4 =	vperm.xlane v3, v0;
	_ =	sdelay $0x1  }
0x2f7: {  	v4 =	vadd.s32 v1, v4;
	_ =	sdelay $0x3  }
0x2f8: {  	s17 =	simm.s32 $0x14200  }
0x2f9: {  	[tilespmem:s17], [sflag:$0x3] =	stream.indirect_vreg.gather [hbm4b:s1+s3], $0x80, v4, vm0, $0xb8;
	[tilespmem:$0x18200] =	vst v63  }
0x2fa: {  	s18 =	simm.s32 $0x14A00;
	v3 =	vperm.xlane v3, v2  }
0x2fb: {  	[tilespmem:s18], [sflag:$0x3] =	stream.indirect_vreg.gather [hbm4b:s4+s3], $0x80, v4, vm0, $0xb8;
	[tilespmem:$0x18200] =	vst v63  }
0x2fc: {  	v3 =	vadd.s32 v1, v3;
	s18 =	simm.s32 $0x15200  }
0x2fd: {  	[tilespmem:s18], [sflag:$0x3] =	stream.indirect_vreg.gather [hbm4b:s5+s3], $0x80, v4, vm0, $0xb8;
	[tilespmem:$0x18200] =	vst v63  }
0x2fe: {  	s30 =	simm.s32 $0x15A00  }
0x2ff: {  	[tilespmem:s30], [sflag:$0x3] =	stream.indirect_vreg.gather [hbm4b:s6+s3], $0x80, v4, vm0, $0xb8;
	[tilespmem:$0x18200] =	vst v63  }
0x300: {  	s31 =	simm.s32 $0x16200  }
0x301: {  	[tilespmem:s31], [sflag:$0x3] =	stream.indirect_vreg.gather [hbm4b:s1+s3], $0x80, v3, vm0, $0xb8;
	[tilespmem:$0x18200] =	vst v63  }
0x302: {  	s10 =	simm.s32 $0x16A00  }
0x303: {  	[tilespmem:s10], [sflag:$0x3] =	stream.indirect_vreg.gather [hbm4b:s4+s3], $0x80, v3, vm0, $0xb8;
	[tilespmem:$0x18200] =	vst v63  }
0x304: {  	s19 =	simm.s32 $0x17200  }
0x305: {  	[tilespmem:s19], [sflag:$0x3] =	stream.indirect_vreg.gather [hbm4b:s5+s3], $0x80, v3, vm0, $0xb8;
	[tilespmem:$0x18200] =	vst v63  }
0x306: {  	s20 =	simm.s32 $0x17A00  }
0x307: {  	[tilespmem:s20], [sflag:$0x3] =	stream.indirect_vreg.gather [hbm4b:s6+s3], $0x80, v3, vm0, $0xb8;
	[tilespmem:$0x18200] =	vst v63  }
0x308: {  	s14 =	simm.s32 $0x200;
	s10 =	rddreg [dreg:$0x11]  }
0x309: {  	[hbm4b:s10+s3] =	stream.linear.scatter [tilespmem:s14], [sflag:$0x4], $0x8000, $0x38;
	[tilespmem:$0x18200] =	vst v63  }
0x30a: {  	_ =	swait.ge [sflag:s9], $0x8000  }
0x30b: {  	[sflag:s9] =	ssyncset.done $0x0  }
0x30c: {  	[sflag:s9] =	ssyncadd.s32 $0xFFFF8000  }
0x30d: {  	_ =	swait.ge [sflag:s2], $0x8000  }
0x30e: {  	[sflag:s2] =	ssyncset.done $0x0  }
0x30f: {  	[sflag:s2] =	ssyncadd.s32 $0xFFFF8000  }
0x310: {  	v3 =	vld [tilespmem:$0x1E0];
	_ =	sdelay $0x4  }
0x311: {  	v62 =	vshll.u32 v3, $0x3  }
0x312: {  	v3 =	vand.u32 $0x7, v3;
	v4 =	vand.u32 $0xFFFFFFC0, v62  }
0x313: {  	v3 =	vor.u32 v3, v4  }
0x314: {  	v4 =	vperm.xlane v3, v0;
	_ =	sdelay $0x1  }
0x315: {  	v4 =	vadd.s32 v1, v4;
	_ =	sdelay $0x4  }
0x316: {  	[tilespmem:s14], [sflag:$0x1] =	stream.indirect_vreg.gather [hbm4b:s1+s3], $0x80, v4, vm0, $0xb8;
	[tilespmem:$0x18200] =	vst v63  }
0x317: {  	s24 =	simm.s32 $0xA00;
	v3 =	vperm.xlane v3, v2  }
0x318: {  	[tilespmem:s24], [sflag:$0x1] =	stream.indirect_vreg.gather [hbm4b:s4+s3], $0x80, v4, vm0, $0xb8;
	[tilespmem:$0x18200] =	vst v63  }
0x319: {  	s21 =	simm.s32 $0x1200;
	v3 =	vadd.s32 v1, v3  }
0x31a: {  	[tilespmem:s21], [sflag:$0x1] =	stream.indirect_vreg.gather [hbm4b:s5+s3], $0x80, v4, vm0, $0xb8;
	[tilespmem:$0x18200] =	vst v63  }
0x31b: {  	s22 =	simm.s32 $0x1A00  }
0x31c: {  	[tilespmem:s22], [sflag:$0x1] =	stream.indirect_vreg.gather [hbm4b:s6+s3], $0x80, v4, vm0, $0xb8;
	[tilespmem:$0x18200] =	vst v63  }
0x31d: {  	s17 =	simm.s32 $0x2200  }
0x31e: {  	[tilespmem:s17], [sflag:$0x1] =	stream.indirect_vreg.gather [hbm4b:s1+s3], $0x80, v3, vm0, $0xb8;
	[tilespmem:$0x18200] =	vst v63  }
0x31f: {  	s18 =	simm.s32 $0x2A00  }
0x320: {  	[tilespmem:s18], [sflag:$0x1] =	stream.indirect_vreg.gather [hbm4b:s4+s3], $0x80, v3, vm0, $0xb8;
	[tilespmem:$0x18200] =	vst v63  }
0x321: {  	s19 =	simm.s32 $0x3200  }
0x322: {  	[tilespmem:s19], [sflag:$0x1] =	stream.indirect_vreg.gather [hbm4b:s5+s3], $0x80, v3, vm0, $0xb8;
	[tilespmem:$0x18200] =	vst v63  }
0x323: {  	s12 =	simm.s32 $0x3A00  }
0x324: {  	[tilespmem:s12], [sflag:$0x1] =	stream.indirect_vreg.gather [hbm4b:s6+s3], $0x80, v3, vm0, $0xb8;
	[tilespmem:$0x18200] =	vst v63  }
0x325: {  	v3 =	vld [tilespmem:$0x1F0];
	_ =	sdelay $0x4  }
0x326: {  	v63 =	vshll.u32 v3, $0x3  }
0x327: {  	v3 =	vand.u32 $0x7, v3;
	v4 =	vand.u32 $0xFFFFFFC0, v63  }
0x328: {  	v3 =	vor.u32 v3, v4  }
0x329: {  	v4 =	vperm.xlane v3, v0;
	_ =	sdelay $0x1  }
0x32a: {  	v4 =	vadd.s32 v1, v4;
	_ =	sdelay $0x3  }
0x32b: {  	s13 =	simm.s32 $0x4200  }
0x32c: {  	[tilespmem:s13], [sflag:$0x1] =	stream.indirect_vreg.gather [hbm4b:s1+s3], $0x80, v4, vm0, $0xb8;
	[tilespmem:$0x18200] =	vst v63  }
0x32d: {  	s20 =	simm.s32 $0x4A00;
	v3 =	vperm.xlane v3, v2  }
0x32e: {  	[tilespmem:s20], [sflag:$0x1] =	stream.indirect_vreg.gather [hbm4b:s4+s3], $0x80, v4, vm0, $0xb8;
	[tilespmem:$0x18200] =	vst v63  }
0x32f: {  	s23 =	simm.s32 $0x5200;
	v3 =	vadd.s32 v1, v3  }
0x330: {  	[tilespmem:s23], [sflag:$0x1] =	stream.indirect_vreg.gather [hbm4b:s5+s3], $0x80, v4, vm0, $0xb8;
	[tilespmem:$0x18200] =	vst v63  }
0x331: {  	s21 =	simm.s32 $0x5A00  }
0x332: {  	[tilespmem:s21], [sflag:$0x1] =	stream.indirect_vreg.gather [hbm4b:s6+s3], $0x80, v4, vm0, $0xb8;
	[tilespmem:$0x18200] =	vst v63  }
0x333: {  	s11 =	simm.s32 $0x6200  }
0x334: {  	[tilespmem:s11], [sflag:$0x1] =	stream.indirect_vreg.gather [hbm4b:s1+s3], $0x80, v3, vm0, $0xb8;
	[tilespmem:$0x18200] =	vst v63  }
0x335: {  	s26 =	simm.s32 $0x6A00  }
0x336: {  	[tilespmem:s26], [sflag:$0x1] =	stream.indirect_vreg.gather [hbm4b:s4+s3], $0x80, v3, vm0, $0xb8;
	[tilespmem:$0x18200] =	vst v63  }
0x337: {  	s22 =	simm.s32 $0x7200  }
0x338: {  	[tilespmem:s22], [sflag:$0x1] =	stream.indirect_vreg.gather [hbm4b:s5+s3], $0x80, v3, vm0, $0xb8;
	[tilespmem:$0x18200] =	vst v63  }
0x339: {  	s7 =	simm.s32 $0x7A00  }
0x33a: {  	[tilespmem:s7], [sflag:$0x1] =	stream.indirect_vreg.gather [hbm4b:s6+s3], $0x80, v3, vm0, $0xb8;
	[tilespmem:$0x18200] =	vst v63  }
0x33b: {  	s16 =	simm.s32 $0x8200;
	s23 =	rddreg [dreg:$0x12]  }
0x33c: {  	[hbm4b:s23+s3] =	stream.linear.scatter [tilespmem:s16], [sflag:$0x5], $0x8000, $0x38;
	[tilespmem:$0x18200] =	vst v63  }
0x33d: {  	_ =	swait.ge [sflag:s0], $0x8000  }
0x33e: {  	[sflag:s0] =	ssyncset.done $0x0  }
0x33f: {  	s25 =	simm.s32 $0x10200;
	s24 =	rddreg [dreg:$0x13];
	[sflag:s0] =	ssyncadd.s32 $0xFFFF8000  }
0x340: {  	[hbm4b:s24+s3] =	stream.linear.scatter [tilespmem:s25], [sflag:$0x6], $0x8000, $0x38;
	[tilespmem:$0x18200] =	vst v63  }
0x341: {  	_ =	swait.ge [sflag:s8], $0x8000  }
0x342: {  	[sflag:s8] =	ssyncset.done $0x0  }
0x343: {  	s15 =	simm.s32 $0x200;
	s26 =	rddreg [dreg:$0x14];
	[sflag:s8] =	ssyncadd.s32 $0xFFFF8000  }
0x344: {  	[hbm4b:s26+s3] =	stream.linear.scatter [tilespmem:s15], [sflag:$0x4], $0x8000, $0x38;
	[tilespmem:$0x18200] =	vst v63  }
0x345: {  	s31 =	rddreg [dreg:$0x15];
	_ =	swait.ge [sflag:s28], $0x8000  }
0x346: {  	[sflag:s28] =	ssyncset.done $0x0  }
0x347: {  	[sflag:s28] =	ssyncadd.s32 $0xFFFF8000  }
0x348: {  	p0 =	sne.s32 s31, $0x1;
	_ =	swait.ge [sflag:s29], $0x8000  }
.Ltmp0:
0x349: {  	[sflag:s29] =	ssyncset.done $0x0;
	(pc) =	sbr.rel @p0 .LBB2_1-.Ltmp0, $4  }
0x34a: {  	[sflag:s29] =	ssyncadd.s32 $0xFFFF8000  }
0x34b: {  	_ =	swait.ge [sflag:s2], $0x8000  }
0x34c: {  	[sflag:s2] =	ssyncset.done $0x0  }
0x34d: {  	s7 =	sadd.s32 $0xFFFFFFFF, s31;
	[sflag:s2] =	ssyncadd.s32 $0xFFFF8000  }
0x34e: {  	_ =	sfence.sel $0x180000  }
0x34f: {  	[bflag:$0x0] =	sbarrier.arrive $0xFFFF  }
0x350: {  	_ =	strace $0x90000047  }
0x351: {  	s0 =	stileid.u32;
	[bflag:$0x2] =	sbarrier.arrive $0xFFFF  }
0x352: {  	p0 =	sne.s32 s0, $0x0;
	s0 =	rddreg [dreg:$0x3]  }
0x353: {  	s0 =	sadd.s32 @!p0 $0x100000, s0  }
0x354: {  	[sflag:s0] =	ssyncadd.tile.s32 @!p0 $0x1;
	_ =	shalt  }
.Lfunc_end2:
_tile_overlayer_lowered:
.L_overlay_start_2:
0x355: {  	(tag) =	ssettag $0x2  }
0x356: {  	s0 =	rddreg [dreg:$0x0];
	s2 =	stileid.u32  }
0x357: {  	s1 =	rddreg [dreg:$0x1];
	p0 =	sne.s32 s2, $0x0  }
0x358: {  	s3 =	rddreg [dreg:$0x2];
	[bflag:$0x3] =	sbarrier.arrive $0xFFFF;
	s2 =	simm.s32 @!p0 $0x1C07  }
0x359: {  	[timem:s3], [sflag:s2] =	dma.local @!p0 [hbm:s0], s1  }
0x35a: {  	s0 =	simm.s32 @!p0 $0x7  }
0x35b: {  	_ =	swait.ge @!p0 [sflag:s0], s1  }
0x35c: {  	s1 =	ssub.s32 @!p0 $0x0, s1;
	[sflag:s0] =	ssyncset.done @!p0 $0x0  }
0x35d: {  	[sflag:s0] =	ssyncadd.s32 @!p0 s1  }
0x35e: {  	[bflag:$0x3] =	sbarrier.arrive $0xFFFF  }
0x35f: {  	_ =	shalt  }

</sc_bundles>
